<compile_context>
chip_gen: v7x
topology: tpu7x:2x2x1
jax: 0.10.2.dev20260603
libtpu: 0.0.44.dev20260713+nightly
codegen_flags: <defaults>
</compile_context>

<pallas_src>
import functools

import jax
import jax.numpy as jnp
from jax import lax
from jax.experimental import pallas as pl
from jax.experimental.pallas import tpu as pltpu
from jax.experimental.pallas import tpu_sc as plsc

N = 8192
D = 256
K = 8192
TN = 2048
TK = 512
NT = N // TN
KT = K // TK
COMMITMENT_COST = 0.25

_WIN = 4096
_SPLITS = {_WIN // TK: _WIN % TK}


def _minarg(dist, base_col, mask=None):
    if mask is not None:
        dist = jnp.where(mask, dist, jnp.inf)
    tmin = jnp.min(dist, axis=1, keepdims=True)
    kk = lax.broadcasted_iota(jnp.int32, dist.shape, 1) + base_col
    big = jnp.int32(2**31 - 1)
    targ = jnp.min(jnp.where(dist == tmin, kk, big), axis=1, keepdims=True)
    return tmin, targ


def _argmin_body(x_ref, e_ref, x2_ref, e2_ref, idx_out, mind_out,
                 wv, wi, gv, gvraw, gi):
    k = pl.program_id(1)
    d = lax.dot_general(x_ref[...].astype(jnp.bfloat16),
                        e_ref[...].astype(jnp.bfloat16),
                        dimension_numbers=(((1,), (1,)), ((), ())),
                        preferred_element_type=jnp.float32)
    dist = (x2_ref[...] + e2_ref[...]) - 2.0 * d

    def upd_running(tmin, targ):
        u = tmin < wv[...]
        wi[...] = jnp.where(u, targ, wi[...])
        wv[...] = jnp.where(u, tmin, wv[...])

    def close_window():
        take = wv[...] < gv[...]
        gi[...] = jnp.where(take, wi[...], gi[...])
        gvraw[...] = jnp.where(take, wv[...], gvraw[...])
        gv[...] = jnp.where(
            take, wv[...].astype(jnp.bfloat16).astype(jnp.float32), gv[...])
        wv[...] = jnp.full((TN, 1), jnp.inf, jnp.float32)

    @pl.when(k == 0)
    def _():
        gv[...] = jnp.full((TN, 1), jnp.inf, jnp.float32)
        gvraw[...] = jnp.full((TN, 1), jnp.inf, jnp.float32)
        gi[...] = jnp.zeros((TN, 1), jnp.int32)
        tmin, targ = _minarg(dist, 0)
        wv[...] = tmin
        wi[...] = targ

    cols = lax.broadcasted_iota(jnp.int32, (TN, TK), 1)
    for ks, off in _SPLITS.items():
        @pl.when(k == ks)
        def _(ks=ks, off=off):
            if off:
                ta_v, ta_i = _minarg(dist, ks * TK, cols < off)
                upd_running(ta_v, ta_i)
            close_window()
            if off:
                tb_v, tb_i = _minarg(dist, ks * TK, cols >= off)
                upd_running(tb_v, tb_i)
            else:
                t_v, t_i = _minarg(dist, ks * TK)
                upd_running(t_v, t_i)

    is_plain = k > 0
    for ks in _SPLITS:
        is_plain = is_plain & (k != ks)

    @pl.when(is_plain)
    def _():
        tmin, targ = _minarg(dist, k * TK)
        upd_running(tmin, targ)

    @pl.when(k == KT - 1)
    def _():
        take = wv[...] < gv[...]
        idx_out[...] = jnp.where(take, wi[...], gi[...])
        mind_out[...] = jnp.where(take, wv[...], gvraw[...])


def _argmin_indices(flat, emb, x2, e2):
    return pl.pallas_call(
        _argmin_body,
        grid=(NT, KT),
        in_specs=[
            pl.BlockSpec((TN, D), lambda n, k: (n, 0)),
            pl.BlockSpec((TK, D), lambda n, k: (k, 0)),
            pl.BlockSpec((TN, 1), lambda n, k: (n, 0)),
            pl.BlockSpec((1, TK), lambda n, k: (0, k)),
        ],
        out_specs=[
            pl.BlockSpec((TN, 1), lambda n, k: (n, 0)),
            pl.BlockSpec((TN, 1), lambda n, k: (n, 0)),
        ],
        out_shape=[
            jax.ShapeDtypeStruct((N, 1), jnp.int32),
            jax.ShapeDtypeStruct((N, 1), jnp.float32),
        ],
        scratch_shapes=[
            pltpu.VMEM((TN, 1), jnp.float32),
            pltpu.VMEM((TN, 1), jnp.int32),
            pltpu.VMEM((TN, 1), jnp.float32),
            pltpu.VMEM((TN, 1), jnp.float32),
            pltpu.VMEM((TN, 1), jnp.int32),
        ],
    )(flat, emb, x2, e2)


_NC, _NS = 2, 16
_NW = _NC * _NS
_BW = N // _NW
_BINS_W = K // _NS


def _gather_hist(emb, idx):
    mesh = plsc.VectorSubcoreMesh(core_axis_name="c", subcore_axis_name="s")

    @functools.partial(
        pl.kernel,
        mesh=mesh,
        out_type=[
            jax.ShapeDtypeStruct((N, D), jnp.float32),
            jax.ShapeDtypeStruct((_NC, K), jnp.float32),
        ],
        scratch_types=[
            pltpu.VMEM((_BW,), jnp.int32),
            pltpu.VMEM((_BW, D), jnp.float32),
            pltpu.VMEM((_BINS_W,), jnp.float32),
            pltpu.VMEM_SHARED((K,), jnp.float32),
            pltpu.SemaphoreType.DMA,
        ],
    )
    def kern(emb_hbm, idx_hbm, quant_hbm, counts_hbm,
             idx_v, rows_v, stage_v, hist_sh, sem):
        c = lax.axis_index("c")
        s = lax.axis_index("s")
        wid = c * _NS + s
        base = wid * _BW

        pltpu.sync_copy(idx_hbm.at[pl.ds(base, _BW)], idx_v)
        pltpu.async_copy(emb_hbm.at[idx_v], rows_v, sem).wait()
        pltpu.sync_copy(rows_v, quant_hbm.at[pl.ds(base, _BW)])

        z16 = jnp.zeros((16,), jnp.float32)

        def _zero(r, _):
            stage_v[pl.ds(r * 16, 16)] = z16
            return 0
        lax.fori_loop(0, _BINS_W // 16, _zero, 0)
        pltpu.sync_copy(stage_v, hist_sh.at[pl.ds(s * _BINS_W, _BINS_W)])
        plsc.subcore_barrier()

        ones16 = jnp.full((16,), 1.0, jnp.float32)

        def _ones(r, _):
            stage_v[pl.ds(r * 16, 16)] = ones16
            return 0
        lax.fori_loop(0, _BW // 16, _ones, 0)
        pltpu.sync_copy(stage_v.at[pl.ds(0, _BW)], hist_sh.at[idx_v],
                        add=True)
        plsc.subcore_barrier()

        pltpu.sync_copy(hist_sh.at[pl.ds(s * _BINS_W, _BINS_W)],
                        counts_hbm.at[c, pl.ds(s * _BINS_W, _BINS_W)])

    return kern(emb, idx)


def _final_body(mind_ref, ca_ref, cb_ref, loss_ref, perp_ref, probs_ref):
    counts = ca_ref[...] + cb_ref[...]
    p = counts * (1.0 / N)
    probs_ref[...] = p
    ent = jnp.sum(p * jnp.log(p + 1e-10))
    perp_ref[...] = jnp.exp(-ent).reshape(1, 1)
    loss_ref[...] = ((COMMITMENT_COST / (N * D))
                     * jnp.sum(mind_ref[...])).reshape(1, 1)


def _finalize(mind, counts):
    mind2 = mind.reshape(64, 128)
    ca = counts[0].reshape(64, 128)
    cb = counts[1].reshape(64, 128)
    return pl.pallas_call(
        _final_body,
        out_shape=[
            jax.ShapeDtypeStruct((1, 1), jnp.float32),
            jax.ShapeDtypeStruct((1, 1), jnp.float32),
            jax.ShapeDtypeStruct((64, 128), jnp.float32),
        ],
    )(mind2, ca, cb)


def kernel(inputs, embedding):
    input_shape = inputs.shape
    flat = inputs.reshape(-1, D)
    x2 = jnp.sum(flat ** 2, axis=1, keepdims=True)
    e2 = jnp.sum(embedding ** 2, axis=1)

    idx2, mind = _argmin_indices(flat, embedding, x2, e2.reshape(1, K))
    quant, counts = _gather_hist(embedding, idx2.reshape(N))
    loss, perp, probs = _finalize(mind, counts)

    quantized_st = quant.reshape(input_shape)
    return (loss.reshape(()), quantized_st, perp.reshape(()),
            idx2, probs.reshape(K))

# --- scband reference (transcript-rebuilt; emitter-appended) ---
"""Pipeline reference for scband-vector-quantizer-ema-7576322310659 (READ-ONLY COPY).

The authoritative reference and input builder live on the scoring server;
editing this copy changes nothing except your own understanding.
"""

import jax, jax.numpy as jnp
import numpy as np

COMMITMENT_COST = 0.25

def setup_inputs(seed: int = 0) -> dict:
    key = jax.random.key(seed)
    k1, k2 = jax.random.split(key)
    inputs = jax.random.normal(k1, (8, 1024, 256), dtype=jnp.float32)
    embedding = jax.random.normal(k2, (8192, 256), dtype=jnp.float32)
    return {"inputs": inputs, "embedding": embedding}

def reference(inputs, embedding):
    # Eval-mode forward of VectorQuantizerEMA (no EMA buffer updates)
    K, D = embedding.shape
    input_shape = inputs.shape
    flat_input = inputs.reshape(-1, D)
    distances = (jnp.sum(flat_input ** 2, axis=1, keepdims=True)
                 + jnp.sum(embedding ** 2, axis=1)
                 - 2.0 * jnp.matmul(flat_input, embedding.T))
    encoding_indices = jnp.argmin(distances, axis=1)[:, None]
    encodings = jax.nn.one_hot(encoding_indices[:, 0], K, dtype=flat_input.dtype)
    quantized = jnp.matmul(encodings, embedding).reshape(input_shape)
    e_latent_loss = jnp.mean((jax.lax.stop_gradient(quantized) - inputs) ** 2)
    loss = COMMITMENT_COST * e_latent_loss
    quantized_st = inputs + jax.lax.stop_gradient(quantized - inputs)
    avg_probs = jnp.mean(encodings, axis=0)
    perplexity = jnp.exp(-jnp.sum(avg_probs * jnp.log(avg_probs + 1e-10)))
    return (loss, quantized_st, perplexity, encoding_indices, avg_probs)

if __name__ == "__main__":
    import jax
    _d = setup_inputs()
    print(jax.jit(kernel)(*tuple(_d.values())))

</pallas_src>

<mosaic_0001>
#map = affine_map<(d0, d1) -> (0, 0)>
#map1 = affine_map<(d0, d1) -> (0)>
module attributes {stable_mosaic.version = 14 : i64} {
  func.func @kern(%arg0: i32, %arg1: i32, %arg2: memref<8192x256xf32, #tpu.memory_space<hbm>>, %arg3: memref<8192xi32, #tpu.memory_space<hbm>>, %arg4: memref<8192x256xf32, #tpu.memory_space<hbm>>, %arg5: memref<2x8192xf32, #tpu.memory_space<hbm>>, %arg6: memref<256xi32, #tpu.memory_space<vmem>>, %arg7: memref<256x256xf32, #tpu.memory_space<vmem>>, %arg8: memref<512xf32, #tpu.memory_space<vmem>>, %arg9: memref<8192xf32, #tpu.memory_space<vmem_shared>>, %arg10: memref<!tpu.dma_semaphore, #tpu.memory_space<semaphore_mem>>) attributes {dimension_semantics = [#tpu.dimension_semantics<core_parallel>, #tpu.dimension_semantics<subcore_parallel>], iteration_bounds = array<i64: 2, 16>, scalar_prefetch = 0 : i64, scratch_operands = 5 : i64, tpu.core_type = #tpu.core_type<sc_vector_subcore>, window_params = [{transform_indices = #map}, {transform_indices = #map1}, {transform_indices = #map}, {transform_indices = #map}]} {
    %mul3A = arith.constant 16 : i32
    %mul3A_0 = arith.muli %arg0, %mul3A : i32
    %add3A = arith.addi %mul3A_0, %arg1 : i32
    %mul3A_1 = arith.constant 256 : i32
    %mul3A_2 = arith.muli %add3A, %mul3A_1 : i32
    "tpu.region"() ({
      %run_scoped3A = tpu.sem_alloc : memref<!tpu.dma_semaphore, #tpu.memory_space<semaphore_mem>>
      %dma_start3A_30 = tpu.memref_slice %arg3[%mul3A_2] : memref<8192xi32, #tpu.memory_space<hbm>> -> memref<256xi32, #tpu.memory_space<hbm>>
      %dma_start3A_31 = tpu.memref_slice %arg3[%mul3A_2] : memref<8192xi32, #tpu.memory_space<hbm>> -> memref<256xi32, #tpu.memory_space<hbm>>
      tpu.enqueue_dma source(%dma_start3A_31 : memref<256xi32, #tpu.memory_space<hbm>>) target(%arg6 : memref<256xi32, #tpu.memory_space<vmem>>) target_semaphore(%run_scoped3A : memref<!tpu.dma_semaphore, #tpu.memory_space<semaphore_mem>>)
      %dma_wait3A_32 = tpu.memref_slice %arg3[%mul3A_2] : memref<8192xi32, #tpu.memory_space<hbm>> -> memref<256xi32, #tpu.memory_space<hbm>>
      %dma_wait3A_33 = tpu.memref_slice %arg3[%mul3A_2] : memref<8192xi32, #tpu.memory_space<hbm>> -> memref<256xi32, #tpu.memory_space<hbm>>
      tpu.wait_dma2 semaphore(%run_scoped3A : memref<!tpu.dma_semaphore, #tpu.memory_space<semaphore_mem>>) src(%dma_wait3A_33 : memref<256xi32, #tpu.memory_space<hbm>>) dst(%arg6 : memref<256xi32, #tpu.memory_space<vmem>>)
      tpu.yield
    }) : () -> ()
    %dma_start3A = arith.constant 0 : i32
    %dma_start3A_3 = arith.constant 0 : i32
    %dma_start3A_4 = tpu.memref_slice %arg2[%dma_start3A, %dma_start3A_3] : memref<8192x256xf32, #tpu.memory_space<hbm>> -> memref<8192x256xf32, #tpu.memory_space<hbm>>
    tpu.enqueue_indirect_dma source(%dma_start3A_4 : memref<8192x256xf32, #tpu.memory_space<hbm>>) target(%arg7 : memref<256x256xf32, #tpu.memory_space<vmem>>) offsets(%arg6 : memref<256xi32, #tpu.memory_space<vmem>>) semaphore(%arg10 : memref<!tpu.dma_semaphore, #tpu.memory_space<semaphore_mem>>)
    %dma_wait3A = arith.constant 0 : i32
    %dma_wait3A_5 = arith.constant 0 : i32
    %dma_wait3A_6 = tpu.memref_slice %arg2[%dma_wait3A, %dma_wait3A_5] : memref<8192x256xf32, #tpu.memory_space<hbm>> -> memref<8192x256xf32, #tpu.memory_space<hbm>>
    tpu.wait_indirect_dma semaphore(%arg10 : memref<!tpu.dma_semaphore, #tpu.memory_space<semaphore_mem>>) src(%dma_wait3A_6 : memref<8192x256xf32, #tpu.memory_space<hbm>>) dst(%arg7 : memref<256x256xf32, #tpu.memory_space<vmem>>)
    "tpu.region"() ({
      %run_scoped3A = tpu.sem_alloc : memref<!tpu.dma_semaphore, #tpu.memory_space<semaphore_mem>>
      %dma_start3A_30 = arith.constant 0 : i32
      %dma_start3A_31 = tpu.memref_slice %arg4[%mul3A_2, %dma_start3A_30] : memref<8192x256xf32, #tpu.memory_space<hbm>> -> memref<256x256xf32, #tpu.memory_space<hbm>>
      %dma_start3A_32 = arith.constant 0 : i32
      %dma_start3A_33 = tpu.memref_slice %arg4[%mul3A_2, %dma_start3A_32] : memref<8192x256xf32, #tpu.memory_space<hbm>> -> memref<256x256xf32, #tpu.memory_space<hbm>>
      tpu.enqueue_dma source(%arg7 : memref<256x256xf32, #tpu.memory_space<vmem>>) target(%dma_start3A_33 : memref<256x256xf32, #tpu.memory_space<hbm>>) target_semaphore(%run_scoped3A : memref<!tpu.dma_semaphore, #tpu.memory_space<semaphore_mem>>)
      %dma_wait3A_34 = arith.constant 0 : i32
      %dma_wait3A_35 = tpu.memref_slice %arg4[%mul3A_2, %dma_wait3A_34] : memref<8192x256xf32, #tpu.memory_space<hbm>> -> memref<256x256xf32, #tpu.memory_space<hbm>>
      %dma_wait3A_36 = arith.constant 0 : i32
      %dma_wait3A_37 = tpu.memref_slice %arg4[%mul3A_2, %dma_wait3A_36] : memref<8192x256xf32, #tpu.memory_space<hbm>> -> memref<256x256xf32, #tpu.memory_space<hbm>>
      tpu.wait_dma2 semaphore(%run_scoped3A : memref<!tpu.dma_semaphore, #tpu.memory_space<semaphore_mem>>) src(%arg7 : memref<256x256xf32, #tpu.memory_space<vmem>>) dst(%dma_wait3A_37 : memref<256x256xf32, #tpu.memory_space<hbm>>)
      tpu.yield
    }) : () -> ()
    %broadcast_in_dim3A = arith.constant 0.000000e+00 : f32
    %broadcast_in_dim3A_7 = vector.broadcast %broadcast_in_dim3A : f32 to vector<16xf32>
    %scan3A = arith.constant 0 : i32
    %scan3A_8 = arith.constant 0 : i32
    %scan3A_9 = arith.constant 32 : i32
    %scan3A_10 = arith.addi %scan3A_8, %scan3A_9 : i32
    %scan3A_11 = arith.constant 1 : i32
    %scan3A_12 = scf.for %scan3A_30 = %scan3A_8 to %scan3A_10 step %scan3A_11 iter_args(%scan3A_31 = %scan3A) -> (i32)  : i32 {
      %mul3A_32 = arith.constant 16 : i32
      %mul3A_33 = arith.muli %scan3A_30, %mul3A_32 : i32
      %swap3A = arith.index_cast %mul3A_33 : i32 to index
      %swap3A_34 = tpu.vector_load %arg8[%swap3A] {strides = array<i32>} : memref<512xf32, #tpu.memory_space<vmem>>, vector<16xf32>,
      %swap3A_35 = vector.shape_cast %swap3A_34 : vector<16xf32> to vector<16xf32>
      %swap3A_36 = vector.shape_cast %broadcast_in_dim3A_7 : vector<16xf32> to vector<16xf32>
      tpu.vector_store %arg8[%swap3A], %swap3A_36 {strides = array<i32>} : memref<512xf32, #tpu.memory_space<vmem>>, vector<16xf32>,
      %scan3A_37 = arith.constant 0 : i32
      scf.yield %scan3A_37 : i32
    }
    %scan3A_13 = arith.constant 32 : i32
    %mul3A_14 = arith.constant 512 : i32
    %mul3A_15 = arith.muli %arg1, %mul3A_14 : i32
    "tpu.region"() ({
      %run_scoped3A = tpu.sem_alloc : memref<!tpu.dma_semaphore, #tpu.memory_space<semaphore_mem>>
      %dma_start3A_30 = tpu.memref_slice %arg9[%mul3A_15] : memref<8192xf32, #tpu.memory_space<vmem_shared>> -> memref<512xf32, #tpu.memory_space<vmem_shared>>
      %dma_start3A_31 = tpu.memref_slice %arg9[%mul3A_15] : memref<8192xf32, #tpu.memory_space<vmem_shared>> -> memref<512xf32, #tpu.memory_space<vmem_shared>>
      tpu.enqueue_dma source(%arg8 : memref<512xf32, #tpu.memory_space<vmem>>) target(%dma_start3A_31 : memref<512xf32, #tpu.memory_space<vmem_shared>>) target_semaphore(%run_scoped3A : memref<!tpu.dma_semaphore, #tpu.memory_space<semaphore_mem>>)
      %dma_wait3A_32 = tpu.memref_slice %arg9[%mul3A_15] : memref<8192xf32, #tpu.memory_space<vmem_shared>> -> memref<512xf32, #tpu.memory_space<vmem_shared>>
      %dma_wait3A_33 = tpu.memref_slice %arg9[%mul3A_15] : memref<8192xf32, #tpu.memory_space<vmem_shared>> -> memref<512xf32, #tpu.memory_space<vmem_shared>>
      tpu.wait_dma2 semaphore(%run_scoped3A : memref<!tpu.dma_semaphore, #tpu.memory_space<semaphore_mem>>) src(%arg8 : memref<512xf32, #tpu.memory_space<vmem>>) dst(%dma_wait3A_33 : memref<512xf32, #tpu.memory_space<vmem_shared>>)
      tpu.yield
    }) : () -> ()
    %barrier3A = arith.constant 0 : index
    tpu.barrier barrier_id(%barrier3A)
    %broadcast_in_dim3A_16 = arith.constant 1.000000e+00 : f32
    %broadcast_in_dim3A_17 = vector.broadcast %broadcast_in_dim3A_16 : f32 to vector<16xf32>
    %scan3A_18 = arith.constant 0 : i32
    %scan3A_19 = arith.constant 0 : i32
    %scan3A_20 = arith.constant 16 : i32
    %scan3A_21 = arith.addi %scan3A_19, %scan3A_20 : i32
    %scan3A_22 = arith.constant 1 : i32
    %scan3A_23 = scf.for %scan3A_30 = %scan3A_19 to %scan3A_21 step %scan3A_22 iter_args(%scan3A_31 = %scan3A_18) -> (i32)  : i32 {
      %mul3A_32 = arith.constant 16 : i32
      %mul3A_33 = arith.muli %scan3A_30, %mul3A_32 : i32
      %swap3A = arith.index_cast %mul3A_33 : i32 to index
      %swap3A_34 = tpu.vector_load %arg8[%swap3A] {strides = array<i32>} : memref<512xf32, #tpu.memory_space<vmem>>, vector<16xf32>,
      %swap3A_35 = vector.shape_cast %swap3A_34 : vector<16xf32> to vector<16xf32>
      %swap3A_36 = vector.shape_cast %broadcast_in_dim3A_17 : vector<16xf32> to vector<16xf32>
      tpu.vector_store %arg8[%swap3A], %swap3A_36 {strides = array<i32>} : memref<512xf32, #tpu.memory_space<vmem>>, vector<16xf32>,
      %scan3A_37 = arith.constant 0 : i32
      scf.yield %scan3A_37 : i32
    }
    %scan3A_24 = arith.constant 16 : i32
    "tpu.region"() ({
      %run_scoped3A = tpu.sem_alloc : memref<!tpu.dma_semaphore, #tpu.memory_space<semaphore_mem>>
      %dma_start3A_30 = arith.constant 0 : i32
      %dma_start3A_31 = tpu.memref_slice %arg8[%dma_start3A_30] : memref<512xf32, #tpu.memory_space<vmem>> -> memref<256xf32, #tpu.memory_space<vmem>>
      %dma_start3A_32 = arith.constant 0 : i32
      %dma_start3A_33 = tpu.memref_slice %arg9[%dma_start3A_32] : memref<8192xf32, #tpu.memory_space<vmem_shared>> -> memref<8192xf32, #tpu.memory_space<vmem_shared>>
      tpu.enqueue_indirect_dma source(%dma_start3A_31 : memref<256xf32, #tpu.memory_space<vmem>>) target(%dma_start3A_33 : memref<8192xf32, #tpu.memory_space<vmem_shared>>) offsets(%arg6 : memref<256xi32, #tpu.memory_space<vmem>>) semaphore(%run_scoped3A : memref<!tpu.dma_semaphore, #tpu.memory_space<semaphore_mem>>) {add = true}
      %dma_wait3A_34 = arith.constant 0 : i32
      %dma_wait3A_35 = tpu.memref_slice %arg8[%dma_wait3A_34] : memref<512xf32, #tpu.memory_space<vmem>> -> memref<256xf32, #tpu.memory_space<vmem>>
      %dma_wait3A_36 = arith.constant 0 : i32
      %dma_wait3A_37 = tpu.memref_slice %arg9[%dma_wait3A_36] : memref<8192xf32, #tpu.memory_space<vmem_shared>> -> memref<8192xf32, #tpu.memory_space<vmem_shared>>
      tpu.wait_indirect_dma semaphore(%run_scoped3A : memref<!tpu.dma_semaphore, #tpu.memory_space<semaphore_mem>>) src(%dma_wait3A_35 : memref<256xf32, #tpu.memory_space<vmem>>) dst(%dma_wait3A_37 : memref<8192xf32, #tpu.memory_space<vmem_shared>>)
      tpu.yield
    }) : () -> ()
    %barrier3A_25 = arith.constant 0 : index
    tpu.barrier barrier_id(%barrier3A_25)
    %mul3A_26 = arith.constant 512 : i32
    %mul3A_27 = arith.muli %arg1, %mul3A_26 : i32
    %mul3A_28 = arith.constant 512 : i32
    %mul3A_29 = arith.muli %arg1, %mul3A_28 : i32
    "tpu.region"() ({
      %run_scoped3A = tpu.sem_alloc : memref<!tpu.dma_semaphore, #tpu.memory_space<semaphore_mem>>
      %dma_start3A_30 = tpu.memref_slice %arg5[%arg0, %mul3A_29] : memref<2x8192xf32, #tpu.memory_space<hbm>> -> memref<1x512xf32, #tpu.memory_space<hbm>>
      %dma_start3A_31 = tpu.memref_squeeze %dma_start3A_30 : memref<1x512xf32, #tpu.memory_space<hbm>> -> memref<512xf32, #tpu.memory_space<hbm>>
      %dma_start3A_32 = tpu.memref_slice %arg9[%mul3A_27] : memref<8192xf32, #tpu.memory_space<vmem_shared>> -> memref<512xf32, #tpu.memory_space<vmem_shared>>
      tpu.enqueue_dma source(%dma_start3A_32 : memref<512xf32, #tpu.memory_space<vmem_shared>>) target(%dma_start3A_31 : memref<512xf32, #tpu.memory_space<hbm>>) target_semaphore(%run_scoped3A : memref<!tpu.dma_semaphore, #tpu.memory_space<semaphore_mem>>)
      %dma_wait3A_33 = tpu.memref_slice %arg5[%arg0, %mul3A_29] : memref<2x8192xf32, #tpu.memory_space<hbm>> -> memref<1x512xf32, #tpu.memory_space<hbm>>
      %dma_wait3A_34 = tpu.memref_squeeze %dma_wait3A_33 : memref<1x512xf32, #tpu.memory_space<hbm>> -> memref<512xf32, #tpu.memory_space<hbm>>
      %dma_wait3A_35 = tpu.memref_slice %arg9[%mul3A_27] : memref<8192xf32, #tpu.memory_space<vmem_shared>> -> memref<512xf32, #tpu.memory_space<vmem_shared>>
      tpu.wait_dma2 semaphore(%run_scoped3A : memref<!tpu.dma_semaphore, #tpu.memory_space<semaphore_mem>>) src(%dma_wait3A_35 : memref<512xf32, #tpu.memory_space<vmem_shared>>) dst(%dma_wait3A_34 : memref<512xf32, #tpu.memory_space<hbm>>)
      tpu.yield
    }) : () -> ()
    return
  }
}

module attributes {stable_mosaic.version = 14 : i64} {
  func.func @_argmin_body(%arg0: i32, %arg1: i32, %arg2: memref<2048x256xf32, #tpu.memory_space<vmem>>, %arg3: memref<512x256xf32, #tpu.memory_space<vmem>>, %arg4: memref<2048x1xf32, #tpu.memory_space<vmem>>, %arg5: memref<1x512xf32, #tpu.memory_space<vmem>>, %arg6: memref<2048x1xi32, #tpu.memory_space<vmem>>, %arg7: memref<2048x1xf32, #tpu.memory_space<vmem>>, %arg8: memref<2048x1xf32, #tpu.memory_space<vmem>>, %arg9: memref<2048x1xi32, #tpu.memory_space<vmem>>, %arg10: memref<2048x1xf32, #tpu.memory_space<vmem>>, %arg11: memref<2048x1xf32, #tpu.memory_space<vmem>>, %arg12: memref<2048x1xi32, #tpu.memory_space<vmem>>) attributes {dimension_semantics = [#tpu.dimension_semantics<arbitrary>, #tpu.dimension_semantics<arbitrary>], iteration_bounds = array<i64: 4, 16>, scalar_prefetch = 0 : i64, scratch_operands = 5 : i64, tpu.core_type = #tpu.core_type<tc>, window_params = [{transform_indices = @transform_0, window_bounds = array<i64: 2048, 256>}, {transform_indices = @transform_1, window_bounds = array<i64: 512, 256>}, {transform_indices = @transform_2, window_bounds = array<i64: 2048, 1>}, {transform_indices = @transform_3, window_bounds = array<i64: 1, 512>}, {transform_indices = @transform_4, window_bounds = array<i64: 2048, 1>}, {transform_indices = @transform_5, window_bounds = array<i64: 2048, 1>}]} {
    %get3A = arith.constant 0 : index
    %get3A_0 = arith.constant 0 : index
    %get3A_1 = vector.load %arg2[%get3A, %get3A_0] : memref<2048x256xf32, #tpu.memory_space<vmem>>, vector<2048x256xf32>
    %convert_element_type3A = arith.truncf %get3A_1 : vector<2048x256xf32> to vector<2048x256xbf16>
    %get3A_2 = arith.constant 0 : index
    %get3A_3 = arith.constant 0 : index
    %get3A_4 = vector.load %arg3[%get3A_2, %get3A_3] : memref<512x256xf32, #tpu.memory_space<vmem>>, vector<512x256xf32>
    %convert_element_type3A_5 = arith.truncf %get3A_4 : vector<512x256xf32> to vector<512x256xbf16>
    %dot_general3A = arith.constant dense<0.000000e+00> : vector<2048x512xf32>
    %dot_general3A_6 = tpu.matmul %convert_element_type3A, %convert_element_type3A_5, %dot_general3A {dimension_numbers = #tpu.dot_dimension_numbers<[1], [1], [0], [0], [0, 0, 1, 0], [], []>, transpose_lhs_hint = false} : vector<2048x256xbf16>, vector<512x256xbf16>, vector<2048x512xf32> -> vector<2048x512xf32>
    %get3A_7 = arith.constant 0 : index
    %get3A_8 = arith.constant 0 : index
    %get3A_9 = vector.load %arg4[%get3A_7, %get3A_8] : memref<2048x1xf32, #tpu.memory_space<vmem>>, vector<2048x1xf32>
    %get3A_10 = arith.constant 0 : index
    %get3A_11 = arith.constant 0 : index
    %get3A_12 = vector.load %arg5[%get3A_10, %get3A_11] : memref<1x512xf32, #tpu.memory_space<vmem>>, vector<1x512xf32>
    %add3A = vector.broadcast %get3A_9 : vector<2048x1xf32> to vector<2048x512xf32>
    %add3A_13 = vector.broadcast %get3A_12 : vector<1x512xf32> to vector<2048x512xf32>
    %add3A_14 = arith.addf %add3A, %add3A_13 : vector<2048x512xf32>
    %mul3A = arith.constant 2.000000e+00 : f32
    %mul3A_15 = vector.broadcast %mul3A : f32 to vector<2048x512xf32>
    %mul3A_16 = arith.mulf %mul3A_15, %dot_general3A_6 : vector<2048x512xf32>
    %sub3A = arith.subf %add3A_14, %mul3A_16 : vector<2048x512xf32>
    %eq3A = arith.constant 0 : i32
    %eq3A_17 = arith.cmpi eq, %arg1, %eq3A : i32
    %convert_element_type3A_18 = arith.extui %eq3A_17 : i1 to i32
    %cond3A = arith.constant 0 : i32
    %cond3A_19 = arith.cmpi ne, %convert_element_type3A_18, %cond3A : i32
    scf.if %cond3A_19 {
      %broadcast_in_dim3A = arith.constant 0x7F800000 : f32
      %broadcast_in_dim3A_35 = vector.broadcast %broadcast_in_dim3A : f32 to vector<2048x1xf32>
      %swap3A = arith.constant 0 : index
      %swap3A_36 = arith.constant 0 : index
      %swap3A_37 = vector.load %arg10[%swap3A, %swap3A_36] : memref<2048x1xf32, #tpu.memory_space<vmem>>, vector<2048x1xf32>
      tpu.vector_store %arg10[%swap3A, %swap3A_36], %broadcast_in_dim3A_35 {strides = array<i32>} : memref<2048x1xf32, #tpu.memory_space<vmem>>, vector<2048x1xf32>,
      %broadcast_in_dim3A_38 = arith.constant 0x7F800000 : f32
      %broadcast_in_dim3A_39 = vector.broadcast %broadcast_in_dim3A_38 : f32 to vector<2048x1xf32>
      %swap3A_40 = arith.constant 0 : index
      %swap3A_41 = arith.constant 0 : index
      %swap3A_42 = vector.load %arg11[%swap3A_40, %swap3A_41] : memref<2048x1xf32, #tpu.memory_space<vmem>>, vector<2048x1xf32>
      tpu.vector_store %arg11[%swap3A_40, %swap3A_41], %broadcast_in_dim3A_39 {strides = array<i32>} : memref<2048x1xf32, #tpu.memory_space<vmem>>, vector<2048x1xf32>,
      %broadcast_in_dim3A_43 = arith.constant 0 : i32
      %broadcast_in_dim3A_44 = vector.broadcast %broadcast_in_dim3A_43 : i32 to vector<2048x1xi32>
      %swap3A_45 = arith.constant 0 : index
      %swap3A_46 = arith.constant 0 : index
      %swap3A_47 = vector.load %arg12[%swap3A_45, %swap3A_46] : memref<2048x1xi32, #tpu.memory_space<vmem>>, vector<2048x1xi32>
      tpu.vector_store %arg12[%swap3A_45, %swap3A_46], %broadcast_in_dim3A_44 {strides = array<i32>} : memref<2048x1xi32, #tpu.memory_space<vmem>>, vector<2048x1xi32>,
      %reduce_min3A = arith.constant dense<0x7F800000> : vector<2048xf32>
      %reduce_min3A_48 = vector.multi_reduction <minimumf>, %sub3A, %reduce_min3A [1] : vector<2048x512xf32> to vector<2048xf32>
      %broadcast_in_dim3A_49 = vector.shape_cast %reduce_min3A_48 : vector<2048xf32> to vector<2048x1xf32>
      %iota3A = tpu.iota {dimensions = array<i32: 1>} : vector<2048x512xi32>
      %add3A_50 = arith.constant 0 : i32
      %add3A_51 = vector.broadcast %add3A_50 : i32 to vector<2048x512xi32>
      %add3A_52 = arith.addi %iota3A, %add3A_51 : vector<2048x512xi32>
      %eq3A_53 = vector.broadcast %broadcast_in_dim3A_49 : vector<2048x1xf32> to vector<2048x512xf32>
      %eq3A_54 = arith.cmpf oeq, %sub3A, %eq3A_53 : vector<2048x512xf32>
      %jit3A = arith.constant 2147483647 : i32
      %broadcast_in_dim3A_55 = vector.broadcast %jit3A : i32 to vector<2048x512xi32>
      %select_n3A = arith.select %eq3A_54, %add3A_52, %broadcast_in_dim3A_55 : vector<2048x512xi1>, vector<2048x512xi32>
      %reduce_min3A_56 = arith.constant dense<2147483647> : vector<2048xi32>
      %reduce_min3A_57 = vector.multi_reduction <minsi>, %select_n3A, %reduce_min3A_56 [1] : vector<2048x512xi32> to vector<2048xi32>
      %broadcast_in_dim3A_58 = vector.shape_cast %reduce_min3A_57 : vector<2048xi32> to vector<2048x1xi32>
      %swap3A_59 = arith.constant 0 : index
      %swap3A_60 = arith.constant 0 : index
      %swap3A_61 = vector.load %arg8[%swap3A_59, %swap3A_60] : memref<2048x1xf32, #tpu.memory_space<vmem>>, vector<2048x1xf32>
      tpu.vector_store %arg8[%swap3A_59, %swap3A_60], %broadcast_in_dim3A_49 {strides = array<i32>} : memref<2048x1xf32, #tpu.memory_space<vmem>>, vector<2048x1xf32>,
      %swap3A_62 = arith.constant 0 : index
      %swap3A_63 = arith.constant 0 : index
      %swap3A_64 = vector.load %arg9[%swap3A_62, %swap3A_63] : memref<2048x1xi32, #tpu.memory_space<vmem>>, vector<2048x1xi32>
      tpu.vector_store %arg9[%swap3A_62, %swap3A_63], %broadcast_in_dim3A_58 {strides = array<i32>} : memref<2048x1xi32, #tpu.memory_space<vmem>>, vector<2048x1xi32>,
    } else {
    }
    %eq3A_20 = arith.constant 8 : i32
    %eq3A_21 = arith.cmpi eq, %arg1, %eq3A_20 : i32
    %convert_element_type3A_22 = arith.extui %eq3A_21 : i1 to i32
    %cond3A_23 = arith.constant 0 : i32
    %cond3A_24 = arith.cmpi ne, %convert_element_type3A_22, %cond3A_23 : i32
    scf.if %cond3A_24 {
      %get3A_35 = arith.constant 0 : index
      %get3A_36 = arith.constant 0 : index
      %get3A_37 = vector.load %arg8[%get3A_35, %get3A_36] : memref<2048x1xf32, #tpu.memory_space<vmem>>, vector<2048x1xf32>
      %get3A_38 = arith.constant 0 : index
      %get3A_39 = arith.constant 0 : index
      %get3A_40 = vector.load %arg10[%get3A_38, %get3A_39] : memref<2048x1xf32, #tpu.memory_space<vmem>>, vector<2048x1xf32>
      %lt3A = arith.cmpf olt, %get3A_37, %get3A_40 : vector<2048x1xf32>
      %get3A_41 = arith.constant 0 : index
      %get3A_42 = arith.constant 0 : index
      %get3A_43 = vector.load %arg9[%get3A_41, %get3A_42] : memref<2048x1xi32, #tpu.memory_space<vmem>>, vector<2048x1xi32>
      %get3A_44 = arith.constant 0 : index
      %get3A_45 = arith.constant 0 : index
      %get3A_46 = vector.load %arg12[%get3A_44, %get3A_45] : memref<2048x1xi32, #tpu.memory_space<vmem>>, vector<2048x1xi32>
      %select_n3A = arith.select %lt3A, %get3A_43, %get3A_46 : vector<2048x1xi1>, vector<2048x1xi32>
      %swap3A = arith.constant 0 : index
      %swap3A_47 = arith.constant 0 : index
      %swap3A_48 = vector.load %arg12[%swap3A, %swap3A_47] : memref<2048x1xi32, #tpu.memory_space<vmem>>, vector<2048x1xi32>
      tpu.vector_store %arg12[%swap3A, %swap3A_47], %select_n3A {strides = array<i32>} : memref<2048x1xi32, #tpu.memory_space<vmem>>, vector<2048x1xi32>,
      %get3A_49 = arith.constant 0 : index
      %get3A_50 = arith.constant 0 : index
      %get3A_51 = vector.load %arg8[%get3A_49, %get3A_50] : memref<2048x1xf32, #tpu.memory_space<vmem>>, vector<2048x1xf32>
      %get3A_52 = arith.constant 0 : index
      %get3A_53 = arith.constant 0 : index
      %get3A_54 = vector.load %arg11[%get3A_52, %get3A_53] : memref<2048x1xf32, #tpu.memory_space<vmem>>, vector<2048x1xf32>
      %select_n3A_55 = arith.select %lt3A, %get3A_51, %get3A_54 : vector<2048x1xi1>, vector<2048x1xf32>
      %swap3A_56 = arith.constant 0 : index
      %swap3A_57 = arith.constant 0 : index
      %swap3A_58 = vector.load %arg11[%swap3A_56, %swap3A_57] : memref<2048x1xf32, #tpu.memory_space<vmem>>, vector<2048x1xf32>
      tpu.vector_store %arg11[%swap3A_56, %swap3A_57], %select_n3A_55 {strides = array<i32>} : memref<2048x1xf32, #tpu.memory_space<vmem>>, vector<2048x1xf32>,
      %get3A_59 = arith.constant 0 : index
      %get3A_60 = arith.constant 0 : index
      %get3A_61 = vector.load %arg8[%get3A_59, %get3A_60] : memref<2048x1xf32, #tpu.memory_space<vmem>>, vector<2048x1xf32>
      %convert_element_type3A_62 = arith.truncf %get3A_61 : vector<2048x1xf32> to vector<2048x1xbf16>
      %convert_element_type3A_63 = arith.extf %convert_element_type3A_62 : vector<2048x1xbf16> to vector<2048x1xf32>
      %get3A_64 = arith.constant 0 : index
      %get3A_65 = arith.constant 0 : index
      %get3A_66 = vector.load %arg10[%get3A_64, %get3A_65] : memref<2048x1xf32, #tpu.memory_space<vmem>>, vector<2048x1xf32>
      %select_n3A_67 = arith.select %lt3A, %convert_element_type3A_63, %get3A_66 : vector<2048x1xi1>, vector<2048x1xf32>
      %swap3A_68 = arith.constant 0 : index
      %swap3A_69 = arith.constant 0 : index
      %swap3A_70 = vector.load %arg10[%swap3A_68, %swap3A_69] : memref<2048x1xf32, #tpu.memory_space<vmem>>, vector<2048x1xf32>
      tpu.vector_store %arg10[%swap3A_68, %swap3A_69], %select_n3A_67 {strides = array<i32>} : memref<2048x1xf32, #tpu.memory_space<vmem>>, vector<2048x1xf32>,
      %broadcast_in_dim3A = arith.constant 0x7F800000 : f32
      %broadcast_in_dim3A_71 = vector.broadcast %broadcast_in_dim3A : f32 to vector<2048x1xf32>
      %swap3A_72 = arith.constant 0 : index
      %swap3A_73 = arith.constant 0 : index
      %swap3A_74 = vector.load %arg8[%swap3A_72, %swap3A_73] : memref<2048x1xf32, #tpu.memory_space<vmem>>, vector<2048x1xf32>
      tpu.vector_store %arg8[%swap3A_72, %swap3A_73], %broadcast_in_dim3A_71 {strides = array<i32>} : memref<2048x1xf32, #tpu.memory_space<vmem>>, vector<2048x1xf32>,
      %reduce_min3A = arith.constant dense<0x7F800000> : vector<2048xf32>
      %reduce_min3A_75 = vector.multi_reduction <minimumf>, %sub3A, %reduce_min3A [1] : vector<2048x512xf32> to vector<2048xf32>
      %broadcast_in_dim3A_76 = vector.shape_cast %reduce_min3A_75 : vector<2048xf32> to vector<2048x1xf32>
      %iota3A = tpu.iota {dimensions = array<i32: 1>} : vector<2048x512xi32>
      %add3A_77 = arith.constant 4096 : i32
      %add3A_78 = vector.broadcast %add3A_77 : i32 to vector<2048x512xi32>
      %add3A_79 = arith.addi %iota3A, %add3A_78 : vector<2048x512xi32>
      %eq3A_80 = vector.broadcast %broadcast_in_dim3A_76 : vector<2048x1xf32> to vector<2048x512xf32>
      %eq3A_81 = arith.cmpf oeq, %sub3A, %eq3A_80 : vector<2048x512xf32>
      %jit3A = arith.constant 2147483647 : i32
      %broadcast_in_dim3A_82 = vector.broadcast %jit3A : i32 to vector<2048x512xi32>
      %select_n3A_83 = arith.select %eq3A_81, %add3A_79, %broadcast_in_dim3A_82 : vector<2048x512xi1>, vector<2048x512xi32>
      %reduce_min3A_84 = arith.constant dense<2147483647> : vector<2048xi32>
      %reduce_min3A_85 = vector.multi_reduction <minsi>, %select_n3A_83, %reduce_min3A_84 [1] : vector<2048x512xi32> to vector<2048xi32>
      %broadcast_in_dim3A_86 = vector.shape_cast %reduce_min3A_85 : vector<2048xi32> to vector<2048x1xi32>
      %get3A_87 = arith.constant 0 : index
      %get3A_88 = arith.constant 0 : index
      %get3A_89 = vector.load %arg8[%get3A_87, %get3A_88] : memref<2048x1xf32, #tpu.memory_space<vmem>>, vector<2048x1xf32>
      %lt3A_90 = arith.cmpf olt, %broadcast_in_dim3A_76, %get3A_89 : vector<2048x1xf32>
      %get3A_91 = arith.constant 0 : index
      %get3A_92 = arith.constant 0 : index
      %get3A_93 = vector.load %arg9[%get3A_91, %get3A_92] : memref<2048x1xi32, #tpu.memory_space<vmem>>, vector<2048x1xi32>
      %select_n3A_94 = arith.select %lt3A_90, %broadcast_in_dim3A_86, %get3A_93 : vector<2048x1xi1>, vector<2048x1xi32>
      %swap3A_95 = arith.constant 0 : index
      %swap3A_96 = arith.constant 0 : index
      %swap3A_97 = vector.load %arg9[%swap3A_95, %swap3A_96] : memref<2048x1xi32, #tpu.memory_space<vmem>>, vector<2048x1xi32>
      tpu.vector_store %arg9[%swap3A_95, %swap3A_96], %select_n3A_94 {strides = array<i32>} : memref<2048x1xi32, #tpu.memory_space<vmem>>, vector<2048x1xi32>,
      %get3A_98 = arith.constant 0 : index
      %get3A_99 = arith.constant 0 : index
      %get3A_100 = vector.load %arg8[%get3A_98, %get3A_99] : memref<2048x1xf32, #tpu.memory_space<vmem>>, vector<2048x1xf32>
      %select_n3A_101 = arith.select %lt3A_90, %broadcast_in_dim3A_76, %get3A_100 : vector<2048x1xi1>, vector<2048x1xf32>
      %swap3A_102 = arith.constant 0 : index
      %swap3A_103 = arith.constant 0 : index
      %swap3A_104 = vector.load %arg8[%swap3A_102, %swap3A_103] : memref<2048x1xf32, #tpu.memory_space<vmem>>, vector<2048x1xf32>
      tpu.vector_store %arg8[%swap3A_102, %swap3A_103], %select_n3A_101 {strides = array<i32>} : memref<2048x1xf32, #tpu.memory_space<vmem>>, vector<2048x1xf32>,
    } else {
    }
    %gt3A = arith.constant 0 : i32
    %gt3A_25 = arith.cmpi sgt, %arg1, %gt3A : i32
    %ne3A = arith.constant 8 : i32
    %ne3A_26 = arith.cmpi ne, %arg1, %ne3A : i32
    %and3A = arith.andi %gt3A_25, %ne3A_26 : i1
    %convert_element_type3A_27 = arith.extui %and3A : i1 to i32
    %cond3A_28 = arith.constant 0 : i32
    %cond3A_29 = arith.cmpi ne, %convert_element_type3A_27, %cond3A_28 : i32
    scf.if %cond3A_29 {
      %mul3A_35 = arith.constant 512 : i32
      %mul3A_36 = arith.muli %arg1, %mul3A_35 : i32
      %reduce_min3A = arith.constant dense<0x7F800000> : vector<2048xf32>
      %reduce_min3A_37 = vector.multi_reduction <minimumf>, %sub3A, %reduce_min3A [1] : vector<2048x512xf32> to vector<2048xf32>
      %broadcast_in_dim3A = vector.shape_cast %reduce_min3A_37 : vector<2048xf32> to vector<2048x1xf32>
      %iota3A = tpu.iota {dimensions = array<i32: 1>} : vector<2048x512xi32>
      %add3A_38 = vector.broadcast %mul3A_36 : i32 to vector<2048x512xi32>
      %add3A_39 = arith.addi %iota3A, %add3A_38 : vector<2048x512xi32>
      %eq3A_40 = vector.broadcast %broadcast_in_dim3A : vector<2048x1xf32> to vector<2048x512xf32>
      %eq3A_41 = arith.cmpf oeq, %sub3A, %eq3A_40 : vector<2048x512xf32>
      %jit3A = arith.constant 2147483647 : i32
      %broadcast_in_dim3A_42 = vector.broadcast %jit3A : i32 to vector<2048x512xi32>
      %select_n3A = arith.select %eq3A_41, %add3A_39, %broadcast_in_dim3A_42 : vector<2048x512xi1>, vector<2048x512xi32>
      %reduce_min3A_43 = arith.constant dense<2147483647> : vector<2048xi32>
      %reduce_min3A_44 = vector.multi_reduction <minsi>, %select_n3A, %reduce_min3A_43 [1] : vector<2048x512xi32> to vector<2048xi32>
      %broadcast_in_dim3A_45 = vector.shape_cast %reduce_min3A_44 : vector<2048xi32> to vector<2048x1xi32>
      %get3A_46 = arith.constant 0 : index
      %get3A_47 = arith.constant 0 : index
      %get3A_48 = vector.load %arg8[%get3A_46, %get3A_47] : memref<2048x1xf32, #tpu.memory_space<vmem>>, vector<2048x1xf32>
      %lt3A = arith.cmpf olt, %broadcast_in_dim3A, %get3A_48 : vector<2048x1xf32>
      %get3A_49 = arith.constant 0 : index
      %get3A_50 = arith.constant 0 : index
      %get3A_51 = vector.load %arg9[%get3A_49, %get3A_50] : memref<2048x1xi32, #tpu.memory_space<vmem>>, vector<2048x1xi32>
      %select_n3A_52 = arith.select %lt3A, %broadcast_in_dim3A_45, %get3A_51 : vector<2048x1xi1>, vector<2048x1xi32>
      %swap3A = arith.constant 0 : index
      %swap3A_53 = arith.constant 0 : index
      %swap3A_54 = vector.load %arg9[%swap3A, %swap3A_53] : memref<2048x1xi32, #tpu.memory_space<vmem>>, vector<2048x1xi32>
      tpu.vector_store %arg9[%swap3A, %swap3A_53], %select_n3A_52 {strides = array<i32>} : memref<2048x1xi32, #tpu.memory_space<vmem>>, vector<2048x1xi32>,
      %get3A_55 = arith.constant 0 : index
      %get3A_56 = arith.constant 0 : index
      %get3A_57 = vector.load %arg8[%get3A_55, %get3A_56] : memref<2048x1xf32, #tpu.memory_space<vmem>>, vector<2048x1xf32>
      %select_n3A_58 = arith.select %lt3A, %broadcast_in_dim3A, %get3A_57 : vector<2048x1xi1>, vector<2048x1xf32>
      %swap3A_59 = arith.constant 0 : index
      %swap3A_60 = arith.constant 0 : index
      %swap3A_61 = vector.load %arg8[%swap3A_59, %swap3A_60] : memref<2048x1xf32, #tpu.memory_space<vmem>>, vector<2048x1xf32>
      tpu.vector_store %arg8[%swap3A_59, %swap3A_60], %select_n3A_58 {strides = array<i32>} : memref<2048x1xf32, #tpu.memory_space<vmem>>, vector<2048x1xf32>,
    } else {
    }
    %eq3A_30 = arith.constant 15 : i32
    %eq3A_31 = arith.cmpi eq, %arg1, %eq3A_30 : i32
    %convert_element_type3A_32 = arith.extui %eq3A_31 : i1 to i32
    %cond3A_33 = arith.constant 0 : i32
    %cond3A_34 = arith.cmpi ne, %convert_element_type3A_32, %cond3A_33 : i32
    scf.if %cond3A_34 {
      %get3A_35 = arith.constant 0 : index
      %get3A_36 = arith.constant 0 : index
      %get3A_37 = vector.load %arg8[%get3A_35, %get3A_36] : memref<2048x1xf32, #tpu.memory_space<vmem>>, vector<2048x1xf32>
      %get3A_38 = arith.constant 0 : index
      %get3A_39 = arith.constant 0 : index
      %get3A_40 = vector.load %arg10[%get3A_38, %get3A_39] : memref<2048x1xf32, #tpu.memory_space<vmem>>, vector<2048x1xf32>
      %lt3A = arith.cmpf olt, %get3A_37, %get3A_40 : vector<2048x1xf32>
      %get3A_41 = arith.constant 0 : index
      %get3A_42 = arith.constant 0 : index
      %get3A_43 = vector.load %arg9[%get3A_41, %get3A_42] : memref<2048x1xi32, #tpu.memory_space<vmem>>, vector<2048x1xi32>
      %get3A_44 = arith.constant 0 : index
      %get3A_45 = arith.constant 0 : index
      %get3A_46 = vector.load %arg12[%get3A_44, %get3A_45] : memref<2048x1xi32, #tpu.memory_space<vmem>>, vector<2048x1xi32>
      %select_n3A = arith.select %lt3A, %get3A_43, %get3A_46 : vector<2048x1xi1>, vector<2048x1xi32>
      %swap3A = arith.constant 0 : index
      %swap3A_47 = arith.constant 0 : index
      %swap3A_48 = vector.load %arg6[%swap3A, %swap3A_47] : memref<2048x1xi32, #tpu.memory_space<vmem>>, vector<2048x1xi32>
      tpu.vector_store %arg6[%swap3A, %swap3A_47], %select_n3A {strides = array<i32>} : memref<2048x1xi32, #tpu.memory_space<vmem>>, vector<2048x1xi32>,
      %get3A_49 = arith.constant 0 : index
      %get3A_50 = arith.constant 0 : index
      %get3A_51 = vector.load %arg8[%get3A_49, %get3A_50] : memref<2048x1xf32, #tpu.memory_space<vmem>>, vector<2048x1xf32>
      %get3A_52 = arith.constant 0 : index
      %get3A_53 = arith.constant 0 : index
      %get3A_54 = vector.load %arg11[%get3A_52, %get3A_53] : memref<2048x1xf32, #tpu.memory_space<vmem>>, vector<2048x1xf32>
      %select_n3A_55 = arith.select %lt3A, %get3A_51, %get3A_54 : vector<2048x1xi1>, vector<2048x1xf32>
      %swap3A_56 = arith.constant 0 : index
      %swap3A_57 = arith.constant 0 : index
      %swap3A_58 = vector.load %arg7[%swap3A_56, %swap3A_57] : memref<2048x1xf32, #tpu.memory_space<vmem>>, vector<2048x1xf32>
      tpu.vector_store %arg7[%swap3A_56, %swap3A_57], %select_n3A_55 {strides = array<i32>} : memref<2048x1xf32, #tpu.memory_space<vmem>>, vector<2048x1xf32>,
    } else {
    }
    return
  }
  func.func @transform_0(%arg0: i32, %arg1: i32) -> (i32, i32) {
    %c0_i32 = arith.constant 0 : i32
    %c0_i32_0 = arith.constant 0 : i32
    return %arg0, %c0_i32 : i32, i32
  }
  func.func @transform_1(%arg0: i32, %arg1: i32) -> (i32, i32) {
    %c0_i32 = arith.constant 0 : i32
    %c0_i32_0 = arith.constant 0 : i32
    return %arg1, %c0_i32 : i32, i32
  }
  func.func @transform_2(%arg0: i32, %arg1: i32) -> (i32, i32) {
    %c0_i32 = arith.constant 0 : i32
    %c0_i32_0 = arith.constant 0 : i32
    return %arg0, %c0_i32 : i32, i32
  }
  func.func @transform_3(%arg0: i32, %arg1: i32) -> (i32, i32) {
    %c0_i32 = arith.constant 0 : i32
    %c0_i32_0 = arith.constant 0 : i32
    return %c0_i32, %arg1 : i32, i32
  }
  func.func @transform_4(%arg0: i32, %arg1: i32) -> (i32, i32) {
    %c0_i32 = arith.constant 0 : i32
    %c0_i32_0 = arith.constant 0 : i32
    return %arg0, %c0_i32 : i32, i32
  }
  func.func @transform_5(%arg0: i32, %arg1: i32) -> (i32, i32) {
    %c0_i32 = arith.constant 0 : i32
    %c0_i32_0 = arith.constant 0 : i32
    return %arg0, %c0_i32 : i32, i32
  }
}

module attributes {stable_mosaic.version = 14 : i64} {
  func.func @_final_body(%arg0: memref<64x128xf32, #tpu.memory_space<vmem>>, %arg1: memref<64x128xf32, #tpu.memory_space<vmem>>, %arg2: memref<64x128xf32, #tpu.memory_space<vmem>>, %arg3: memref<1x1xf32, #tpu.memory_space<vmem>>, %arg4: memref<1x1xf32, #tpu.memory_space<vmem>>, %arg5: memref<64x128xf32, #tpu.memory_space<vmem>>) attributes {dimension_semantics = [], scalar_prefetch = 0 : i64, scratch_operands = 0 : i64, tpu.core_type = #tpu.core_type<tc>} {
    %get3A = arith.constant 0 : index
    %get3A_0 = arith.constant 0 : index
    %get3A_1 = vector.load %arg1[%get3A, %get3A_0] : memref<64x128xf32, #tpu.memory_space<vmem>>, vector<64x128xf32>
    %get3A_2 = arith.constant 0 : index
    %get3A_3 = arith.constant 0 : index
    %get3A_4 = vector.load %arg2[%get3A_2, %get3A_3] : memref<64x128xf32, #tpu.memory_space<vmem>>, vector<64x128xf32>
    %add3A = arith.addf %get3A_1, %get3A_4 : vector<64x128xf32>
    %mul3A = arith.constant 1.22070313E-4 : f32
    %mul3A_5 = vector.broadcast %mul3A : f32 to vector<64x128xf32>
    %mul3A_6 = arith.mulf %add3A, %mul3A_5 : vector<64x128xf32>
    %swap3A = arith.constant 0 : index
    %swap3A_7 = arith.constant 0 : index
    %swap3A_8 = vector.load %arg5[%swap3A, %swap3A_7] : memref<64x128xf32, #tpu.memory_space<vmem>>, vector<64x128xf32>
    tpu.vector_store %arg5[%swap3A, %swap3A_7], %mul3A_6 {strides = array<i32>} : memref<64x128xf32, #tpu.memory_space<vmem>>, vector<64x128xf32>,
    %add3A_9 = arith.constant 1.000000e-10 : f32
    %add3A_10 = vector.broadcast %add3A_9 : f32 to vector<64x128xf32>
    %add3A_11 = arith.addf %mul3A_6, %add3A_10 : vector<64x128xf32>
    %log3A = math.log %add3A_11 : vector<64x128xf32>
    %mul3A_12 = arith.mulf %mul3A_6, %log3A : vector<64x128xf32>
    %reduce_sum3A = vector.shape_cast %mul3A_12 : vector<64x128xf32> to vector<1x64x128xf32>
    %reduce_sum3A_13 = arith.constant dense<0.000000e+00> : vector<1xf32>
    %reduce_sum3A_14 = vector.multi_reduction <add>, %reduce_sum3A, %reduce_sum3A_13 [1, 2] : vector<1x64x128xf32> to vector<1xf32>
    %reduce_sum3A_15 = vector.shape_cast %reduce_sum3A_14 : vector<1xf32> to vector<1x1x1xf32>
    %reduce_sum3A_16 = vector.extract %reduce_sum3A_15[0, 0, 0] : f32 from vector<1x1x1xf32>
    %neg3A = arith.constant 0.000000e+00 : f32
    %neg3A_17 = arith.subf %neg3A, %reduce_sum3A_16 : f32
    %exp3A = math.exp %neg3A_17 : f32
    %reshape3A = vector.broadcast %exp3A : f32 to vector<1x1xf32>
    %swap3A_18 = arith.constant 0 : index
    %swap3A_19 = arith.constant 0 : index
    %swap3A_20 = vector.load %arg4[%swap3A_18, %swap3A_19] : memref<1x1xf32, #tpu.memory_space<vmem>>, vector<1x1xf32>
    tpu.vector_store %arg4[%swap3A_18, %swap3A_19], %reshape3A {strides = array<i32>} : memref<1x1xf32, #tpu.memory_space<vmem>>, vector<1x1xf32>,
    %get3A_21 = arith.constant 0 : index
    %get3A_22 = arith.constant 0 : index
    %get3A_23 = vector.load %arg0[%get3A_21, %get3A_22] : memref<64x128xf32, #tpu.memory_space<vmem>>, vector<64x128xf32>
    %reduce_sum3A_24 = vector.shape_cast %get3A_23 : vector<64x128xf32> to vector<1x64x128xf32>
    %reduce_sum3A_25 = arith.constant dense<0.000000e+00> : vector<1xf32>
    %reduce_sum3A_26 = vector.multi_reduction <add>, %reduce_sum3A_24, %reduce_sum3A_25 [1, 2] : vector<1x64x128xf32> to vector<1xf32>
    %reduce_sum3A_27 = vector.shape_cast %reduce_sum3A_26 : vector<1xf32> to vector<1x1x1xf32>
    %reduce_sum3A_28 = vector.extract %reduce_sum3A_27[0, 0, 0] : f32 from vector<1x1x1xf32>
    %mul3A_29 = arith.constant 1.1920929E-7 : f32
    %mul3A_30 = arith.mulf %mul3A_29, %reduce_sum3A_28 : f32
    %reshape3A_31 = vector.broadcast %mul3A_30 : f32 to vector<1x1xf32>
    %swap3A_32 = arith.constant 0 : index
    %swap3A_33 = arith.constant 0 : index
    %swap3A_34 = vector.load %arg3[%swap3A_32, %swap3A_33] : memref<1x1xf32, #tpu.memory_space<vmem>>, vector<1x1xf32>
    tpu.vector_store %arg3[%swap3A_32, %swap3A_33], %reshape3A_31 {strides = array<i32>} : memref<1x1xf32, #tpu.memory_space<vmem>>, vector<1x1xf32>,
    return
  }
}

</mosaic_0001>

<sc_bundles>
// kernel: kernel.5.cloned.1.call-start
scs
__scs_entry_jumppad:
0x0: {  	(pc) =	sbr.rel $0x88, $3  }
0x1: {  	(tag) =	ssettag $0x0;
	lr =	simm.s32 $0x1  }
0x2: {  	[smem:$0x3F9F] =	sst lr;
	_ =	strace $0xD0000000  }
0x3: {  	_ = 	snop  }
0x4: {  	_ = 	snop  }
0x5: {  	_ = 	snop  }
0x6: {  	_ = 	snop  }
0x7: {  	_ = 	snop  }
__scs_overlays_trampoline_lowered:
0x8: {  	[smem:$0x3FAE] =	sst s0  }
0x9: {  	[smem:$0x3FAF] =	sst s1  }
0xa: {  	[smem:$0x3FB0] =	sst s2  }
0xb: {  	[smem:$0x3FB1] =	sst s3  }
0xc: {  	[smem:$0x3FB2] =	sst s4  }
0xd: {  	[smem:$0x3FB3] =	sst s5  }
0xe: {  	[smem:$0x3FB4] =	sst s6  }
0xf: {  	[smem:$0x3FB5] =	sst s7  }
0x10: {  	[smem:$0x3FB6] =	sst s8  }
0x11: {  	[smem:$0x3FB7] =	sst s9;
	s0 =	simm.s32 @!p0 $0x0  }
0x12: {  	s1 =	sld [smem:$0x3F9D];
	s0 =	simm.s32 @p0 $0x1  }
0x13: {  	[smem:$0x3FB8] =	sst s0;
	s0 =	simm.s32 @!p1 $0x0  }
0x14: {  	s2 =	sld [smem:$0x3F9C];
	s0 =	simm.s32 @p1 $0x1  }
0x15: {  	[smem:$0x3FB9] =	sst s0;
	s0 =	simm.s32 @!p2 $0x0  }
0x16: {  	s3 =	sld [smem:$0x3FDB];
	s0 =	simm.s32 @p2 $0x1  }
0x17: {  	s4 =	simm.s32 $0x1BF5;
	[smem:$0x3FBB] =	sst s0  }
0x18: {  	s0 =	sld [smem:$0x3F9E];
	_ =	swait.ge [sflag:s4], $0x0  }
0x19: {  	s7 =	sld [smem:$0x3F9F]  }
0x1a: {  	s8 =	sadd.s32 $0xFFFFE003, lr  }
0x1b: {  	s9 =	sadd.s32 $0xFFFFFEF7, lr;
	s5 =	simm.s32 $0xFFFFFFFF;
	p2 =	slt.u32 s8, $0xFFFFF086  }
0x1c: {  	p1 =	slt.u32 s9, $0xF7A;
	s5 =	simm.s32 @!p2 $0x0  }
0x1d: {  	s5 =	simm.s32 @p1 $0x1;
	p0 =	seq.s32 s7, s2  }
0x1e: {  	s7 =	smul.u32 @!p0 $0xF7A, s2;
	p2 =	seq.s32 @!p0 s5, $0x0  }
0x1f: {  	s9 =	smul.u32 $0xF7A, s1;
	s8 =	simm.s32 @!p0 $0x1BF5;
	p2 =	por !p2, p0  }
0x20: {  	[sflag:s8] =	ssyncset.s32 @!p0 $0xFFFFF086;
	s6 =	sadd.s32 @!p0 s3, s7;
	s7 =	simm.s32 @!p0 $0x108  }
0x21: {  	s3 =	sadd.s32 s3, s9;
	s6 =	sadd.s32 @!p0 $0x88, s6;
	s7 =	simm.s32 @p2 $0x1082  }
0x22: {  	[simem:s7], [sflag:s8] =	dma.local @!p0 [hbm:s6], $0xF7A  }
0x23: {  	s9 =	sor.u32 $0xD0000000, s2;
	s6 =	simm.s32 $0x108;
	_ =	swait.ge @!p0 [sflag:s8], $0x0  }
0x24: {  	s3 =	sadd.s32 $0x88, s3;
	s6 =	simm.s32 @!p1 $0x1082;
	[sflag:s4] =	ssyncset.s32 $0xFFFFF086  }
0x25: {  	[simem:s6], [sflag:s4] =	dma.local [hbm:s3], $0xF7A  }
0x26: {  	[smem:$0x3F9F] =	sst s1;
	(tag) =	ssettag s2;
	_ =	strace s9  }
0x27: {  	s1 =	sld [smem:$0x3FAF]  }
0x28: {  	s2 =	sld [smem:$0x3FB0]  }
0x29: {  	s4 =	sld [smem:$0x3FB2]  }
0x2a: {  	p0 =	seq.s32 s5, $0x0;
	s5 =	sld [smem:$0x3FB3]  }
0x2b: {  	s6 =	sld [smem:$0x3FB4]  }
0x2c: {  	s7 =	sld [smem:$0x3FB5]  }
0x2d: {  	s3 =	simm.s32 $0x108;
	s8 =	sld [smem:$0x3FB6]  }
0x2e: {  	s3 =	simm.s32 @!p0 $0x1082;
	s9 =	sld [smem:$0x3FB7]  }
0x2f: {  	lr =	sadd.s32 s0, s3;
	s0 =	sld [smem:$0x3FAE]  }
0x30: {  	s3 =	sld [smem:$0x3FB1]  }
0x31: {  	[smem:$0x3FBA] =	sst s10  }
0x32: {  	s10 =	sld [smem:$0x3FB8];
	_ =	sdelay $0x3  }
0x33: {  	p0 =	seq.s32 s10, $0x1;
	s10 =	sld [smem:$0x3FBA];
	_ =	sdelay $0x3  }
0x34: {  	[smem:$0x3FBA] =	sst s10  }
0x35: {  	s10 =	sld [smem:$0x3FB9];
	_ =	sdelay $0x3  }
0x36: {  	p1 =	seq.s32 s10, $0x1;
	s10 =	sld [smem:$0x3FBA];
	_ =	sdelay $0x3  }
0x37: {  	[smem:$0x3FBA] =	sst s10  }
0x38: {  	s10 =	sld [smem:$0x3FBB]  }
0x39: {  	_ = 	snop;
	(pc) =	sbr.ind lr, $3  }
0x3a: {  	_ = 	snop  }
0x3b: {  	_ = 	snop  }
0x3c: {  	p2 =	seq.s32 s10, $0x1;
	s10 =	sld [smem:$0x3FBA]  }
0x3d: {  	_ =	shalt  }
0x3e: {  	_ =	shalt  }
0x3f: {  	_ =	shalt  }
0x40: {  	_ =	shalt  }
0x41: {  	_ =	shalt  }
0x42: {  	_ =	shalt  }
0x43: {  	_ =	shalt  }
0x44: {  	_ =	shalt  }
0x45: {  	_ =	shalt  }
0x46: {  	_ =	shalt  }
0x47: {  	_ =	shalt  }
0x48: {  	_ =	shalt  }
0x49: {  	_ =	shalt  }
0x4a: {  	_ =	shalt  }
0x4b: {  	_ =	shalt  }
0x4c: {  	_ =	shalt  }
0x4d: {  	_ =	shalt  }
0x4e: {  	_ =	shalt  }
0x4f: {  	_ =	shalt  }
0x50: {  	_ =	shalt  }
0x51: {  	_ =	shalt  }
0x52: {  	_ =	shalt  }
0x53: {  	_ =	shalt  }
0x54: {  	_ =	shalt  }
0x55: {  	_ =	shalt  }
0x56: {  	_ =	shalt  }
0x57: {  	_ =	shalt  }
0x58: {  	_ =	shalt  }
0x59: {  	_ =	shalt  }
0x5a: {  	_ =	shalt  }
0x5b: {  	_ =	shalt  }
0x5c: {  	_ =	shalt  }
0x5d: {  	_ =	shalt  }
0x5e: {  	_ =	shalt  }
0x5f: {  	_ =	shalt  }
0x60: {  	_ =	shalt  }
0x61: {  	_ =	shalt  }
0x62: {  	_ =	shalt  }
0x63: {  	_ =	shalt  }
0x64: {  	_ =	shalt  }
0x65: {  	_ =	shalt  }
0x66: {  	_ =	shalt  }
0x67: {  	_ =	shalt  }
0x68: {  	_ =	shalt  }
0x69: {  	_ =	shalt  }
0x6a: {  	_ =	shalt  }
0x6b: {  	_ =	shalt  }
0x6c: {  	_ =	shalt  }
0x6d: {  	_ =	shalt  }
0x6e: {  	_ =	shalt  }
0x6f: {  	_ =	shalt  }
0x70: {  	_ =	shalt  }
0x71: {  	_ =	shalt  }
0x72: {  	_ =	shalt  }
0x73: {  	_ =	shalt  }
0x74: {  	_ =	shalt  }
0x75: {  	_ =	shalt  }
0x76: {  	_ =	shalt  }
0x77: {  	_ =	shalt  }
0x78: {  	_ =	shalt  }
0x79: {  	_ =	shalt  }
0x7a: {  	_ =	shalt  }
0x7b: {  	_ =	shalt  }
0x7c: {  	_ =	shalt  }
0x7d: {  	_ =	shalt  }
0x7e: {  	_ =	shalt  }
0x7f: {  	_ =	shalt  }
0x80: {  	_ =	shalt  }
0x81: {  	_ =	shalt  }
0x82: {  	_ =	shalt  }
0x83: {  	_ =	shalt  }
0x84: {  	_ =	shalt  }
0x85: {  	_ =	shalt  }
0x86: {  	_ =	shalt  }
0x87: {  	_ =	shalt  }
.Lfunc_end0:
.L_simem_size_0:
called_computation_lowered:
.L_overlay_start_0:
0x88: {  	s2 =	sld [smem:$0x3FD9]  }
0x89: {  	s3 =	sld [smem:$0x3FFE];
	_ =	sdelay $0x1  }
0x8a: {  	s1 =	srdreg.scid  }
0x8b: {  	s0 =	sand.u32 $0x1, s1  }
0x8c: {  	s14 =	sshll.u32 s0, $0xA;
	s2 =	sadd.s32 s3, s2  }
0x8d: {  	s2 =	sadd.s32 s2, s14  }
0x8e: {  	[smem:$0x3FC6] =	sst s2  }
0x8f: {  	_ = 	snop  }
0x90: {  	s2 =	sld [smem:$0x3FD0];
	_ =	sdelay $0x2  }
0x91: {  	s4 =	simm.s32 $0xA;
	s5 =	simm.s32 $0x10;
	s15 =	sld [smem:$0x3FC8]  }
0x92: {  	[smem:s5], [sflag:s4] =	dma.local [hbm:s2], $0x1  }
0x93: {  	_ =	swait.eq [sflag:s4], $0x1  }
0x94: {  	[sflag:s4] =	ssyncset.done $0x0  }
0x95: {  	s16 =	sld [smem:$0x11];
	[sflag:s4] =	ssyncadd.s32 $0xFFFFFFFF  }
0x96: {  	s17 =	sld [smem:$0x14];
	(tm) =	ssettm $0x1  }
0x97: {  	s18 =	sld [smem:$0x3FFB];
	_ =	sdelay $0x3  }
0x98: {  	_ =	strace s18  }
0x99: {  	s5 =	sld [smem:$0x3FFC];
	_ =	sdelay $0x3  }
0x9a: {  	_ =	strace s5  }
0x9b: {  	s5 =	sld [smem:$0x3FFD];
	_ =	sdelay $0x3  }
0x9c: {  	_ =	strace s5  }
0x9d: {  	_ =	strace $0x8FFFFFFF  }
0x9e: {  	s19 =	sld [smem:$0x3FDB];
	_ =	sdelay $0x1  }
0x9f: {  	s6 =	simm.s32 $_scs_section_size  }
0xa0: {  	s7 =	simm.s32 $_size__tile_overlayer_lowered;
	s8 =	simm.s32 $_tile_overlayer_lowered  }
0xa1: {  	s22 =	simm.s32 $0x1BFF;
	s21 =	sshll.u32 s8, $0x1;
	s5 =	sadd.s32 s6, s19  }
0xa2: {  	s9 =	simm.s32 $0x0;
	s20 =	sshll.u32 s7, $0x1;
	s7 =	sadd.s32 s21, s5  }
0xa3: {  	[timem:s9], [sflag:s22] =	dma.local [hbm:s7], s20  }
0xa4: {  	_ =	swait.ge [sflag:s22], s20  }
0xa5: {  	s6 =	ssub.s32 $0x0, s20;
	[sflag:s22] =	ssyncset.done $0x0  }
0xa6: {  	[sflag:s22] =	ssyncadd.s32 s6;
	_ =	sdelay $0x1  }
0xa7: {  	s23 =	simm.s32 $0x1B8B  }
0xa8: {  	_ =	swait.ge [sflag:s23], $0x1  }
0xa9: {  	[sflag:s23] =	ssyncset.done $0x0  }
0xaa: {  	s25 =	simm.s32 $0x1B8E;
	s24 =	sld [smem:$0x3FFE];
	[sflag:s23] =	ssyncadd.s32 $0xFFFFFFFF  }
0xab: {  	s26 =	simm.s32 $execute0_lowered;
	[smem:$0x3FD2] =	sst s25  }
0xac: {  	s7 =	sshll.u32 s26, $0x1;
	_ =	strace $0x80000046;
	[dreg:$0x1] =	wrdreg $0xFFFFFFFF  }
0xad: {  	s28 =	simm.s32 $_size_execute0_lowered;
	s5 =	sadd.s32 s5, s7;
	[dreg:$0x0] =	wrdreg $0x0  }
0xae: {  	s7 =	sshll.u32 s28, $0x1;
	[dreg:$0x2] =	wrdreg s5  }
0xaf: {  	[dreg:$0x3] =	wrdreg s7  }
0xb0: {  	[dreg:$0x4] =	wrdreg $0xC0  }
0xb1: {  	_ =	task [dreg:s9], $0x5FFFF  }
0xb2: {  	[dreg:$0x1] =	wrdreg $0xFFFFFFFF  }
0xb3: {  	[dreg:$0x0] =	wrdreg $0x60  }
0xb4: {  	[dreg:$0x2] =	wrdreg s15  }
0xb5: {  	[dreg:$0x3] =	wrdreg s17  }
0xb6: {  	[dreg:$0x4] =	wrdreg s16  }
0xb7: {  	[dreg:$0x5] =	wrdreg s24  }
0xb8: {  	[dreg:$0x6] =	wrdreg $0x103000  }
0xb9: {  	[dreg:$0x7] =	wrdreg $0x9  }
0xba: {  	_ =	task.clear_ibuf [dreg:s9], $0x8FFFF;
	_ =	strace $0x90000046  }
0xbb: {  	s29 =	simm.s32 $0x9;
	_ =	strace $0x80000048  }
0xbc: {  	_ =	swait.ge [sflag:s29], $0x1  }
0xbd: {  	[sflag:s29] =	ssyncadd.s32 $0xFFFFFFFF  }
0xbe: {  	_ =	strace $0x90000048  }
0xbf: {  	_ =	sfence  }
0xc0: {  	s30 =	sld [smem:$0x0];
	_ =	sdelay $0x2  }
0xc1: {  	s31 =	sshll.u32 s1, $0xD;
	s1 =	sshrl.u32 s1, $0x2  }
0xc2: {  	s3 =	sand.u32 $0x4000, s31;
	s1 =	sadd.s32 s1, s30  }
0xc3: {  	s0 =	sor.u32 s3, s0;
	s1 =	sshll.u32 s1, $0x11  }
0xc4: {  	s0 =	sor.u32 s1, s0  }
0xc5: {  	s0 =	sadd.s32 $0x8F2B, s0  }
0xc6: {  	[sflag:s0] =	ssyncadd.remote.s32 $0x1  }
0xc7: {  	_ =	sfence.sel $0xFFFF  }
0xc8: {  	[dreg:$0x0] =	wrdreg $0xFFFFFFFF;
	(pc) =	sbr.abs _section_cstart, $3  }
0xc9: {  	[dreg:$0x1] =	wrdreg $0xFFFFFFFF  }
0xca: {  	_ =	task.clear_ibuf [dreg:s9], $0x2FFFF;
	_ =	strace $0x9FFFFFFF  }
0xcb: {  	(tm) =	ssettm $0x7FFFFFFF  }
tec
execute0_lowered:
.L_overlay_start_1:
0x0: {  	(tag) =	ssettag $0x1  }
0x1: {  	s1 =	rddreg [dreg:$0x0]  }
0x2: {  	s5 =	rddreg [dreg:$0x1]  }
0x3: {  	s6 =	rddreg [dreg:$0x2]  }
0x4: {  	s7 =	rddreg [dreg:$0x3]  }
0x5: {  	s3 =	rddreg [dreg:$0x4]  }
0x6: {  	s0 =	rddreg [dreg:$0x5];
	s4 =	simm.s32 $0x0  }
0x7: {  	s12 =	simm.s32 $0x1100;
	[smem:$0x7FF] =	sst s4  }
0x8: {  	s13 =	simm.s32 $0x1900;
	_ =	strace $0x80000047;
	[dreg:$0xa] =	wrdreg s12  }
0x9: {  	s14 =	simm.s32 $0x2100;
	[dreg:$0xb] =	wrdreg s13  }
0xa: {  	s15 =	simm.s32 $0x2900;
	[dreg:$0xc] =	wrdreg s14  }
0xb: {  	s16 =	simm.s32 $0x3100;
	[dreg:$0xd] =	wrdreg s15  }
0xc: {  	s17 =	simm.s32 $0x3900;
	[dreg:$0xe] =	wrdreg s16  }
0xd: {  	s2 =	srdreg.scid;
	s18 =	simm.s32 $0x4100;
	[dreg:$0xf] =	wrdreg s17  }
0xe: {  	s19 =	simm.s32 $0x4900;
	s21 =	simm.s32 $0x5100;
	[dreg:$0x10] =	wrdreg s18  }
0xf: {  	s23 =	simm.s32 $0x5900;
	s24 =	simm.s32 $0x6100;
	[dreg:$0x11] =	wrdreg s19  }
0x10: {  	s26 =	simm.s32 $0x6900;
	s29 =	simm.s32 $0x7100;
	[dreg:$0x12] =	wrdreg s21  }
0x11: {  	s30 =	simm.s32 $0x7900;
	s28 =	simm.s32 $0x10;
	[dreg:$0x13] =	wrdreg s23  }
0x12: {  	s8 =	sand.u32 $0x1, s2;
	s2 =	stileid.u32;
	[dreg:$0x14] =	wrdreg s24  }
0x13: {  	s9 =	sshll.u32 s8, $0xC;
	s10 =	sshll.u32 s2, $0x8;
	[dreg:$0x15] =	wrdreg s26  }
0x14: {  	s11 =	sshll.u32 s8, $0x4;
	s31 =	sshll.u32 s2, $0x7;
	[dreg:$0x16] =	wrdreg s29  }
0x15: {  	s20 =	ssub.s32 $0x2, s8;
	s25 =	sshll.u32 s2, $0x9;
	[dreg:$0x17] =	wrdreg s30  }
0x16: {  	s8 =	simm.s32 $0x100;
	s12 =	simm.s32 $0xA100;
	s13 =	simm.s32 $0xA900  }
0x17: {  	s14 =	simm.s32 $0xB100;
	s15 =	simm.s32 $0xB900;
	s16 =	simm.s32 $0xC100  }
0x18: {  	s17 =	simm.s32 $0xC900;
	s18 =	simm.s32 $0xD100;
	s19 =	simm.s32 $0xD900  }
0x19: {  	s21 =	simm.s32 $0xE900;
	s23 =	simm.s32 $0xF900;
	s24 =	simm.s32 $0x1  }
0x1a: {  	s26 =	simm.s32 $0x20;
	s9 =	sor.u32 s10, s9;
	s7 =	sadd.s32 s11, s7  }
0x1b: {  	s11 =	simm.s32 $0x900;
	s22 =	sshrl.u32 s20, $0x1;
	s10 =	sshrl.u32 s9, $0x3  }
0x1c: {  	s9 =	sshll.u32 s9, $0x5;
	[dreg:$0x9] =	wrdreg s11;
	s11 =	simm.s32 $0x9900  }
0x1d: {  	s5 =	sadd.s32 s5, s10;
	s6 =	sadd.s32 s6, s9;
	s9 =	sadd.s32 s31, s7  }
0x1e: {  	s7 =	simm.s32 $0x2;
	s31 =	simm.s32 $0x8100;
	[dreg:$0x6] =	wrdreg s5  }
0x1f: {  	[dreg:$0x7] =	wrdreg s6;
	s10 =	sadd.s32 $0x200, s9;
	s6 =	ssub.s32 s20, s22  }
0x20: {  	v2 =	vlaneseq.u32;
	vm0 =	vmmov $0xffff;
	s5 =	sadd.s32 s25, s3;
	[dreg:$0x18] =	wrdreg s31;
	s9 =	simm.s32 $0x8900  }
0x21: {  	v3 =	vimm.f32 $0.0e+00;
	v4 =	vimm.f32 $1.000000000e+00;
	v1 =	vshrl.u32 v2, $0x3;
	s20 =	simm.s32 $0xE100;
	s22 =	simm.s32 $0xF100;
	s25 =	simm.s32 $0x10100  }
0x22: {  	v0 =	vand.u32 $0x7, v2;
	v2 =	vor.u32 $0x8, v2;
	v1 =	vmul.u32 $0x8, v1;
	[dreg:$0x8] =	wrdreg s10;
	s6 =	smax.u32 s6, $0x1;
	s10 =	simm.s32 $0x9100  }
.LBB2_1:
0x23: {  	s29 =	rddreg [dreg:$0x6]  }
0x24: {  	[tilespmem:s4], [sflag:$0x2] =	stream.linear.gather [hbm4b:s29+s4], $0x100, $0x38;
	[tilespmem:$0x10500] =	vst v63  }
0x25: {  	_ =	swait.ge [sflag:s7], $0x100  }
0x26: {  	[sflag:s7] =	ssyncset.done $0x0  }
0x27: {  	[sflag:s7] =	ssyncadd.s32 $0xFFFFFF00  }
0x28: {  	v5 =	vld [tilespmem:$0x0];
	_ =	sdelay $0x4  }
0x29: {  	v6 =	vshll.u32 v5, $0x1  }
0x2a: {  	v5 =	vand.u32 $0x7, v5;
	v6 =	vand.u32 $0xFFFFFFF0, v6  }
0x2b: {  	v5 =	vor.u32 v5, v6  }
0x2c: {  	v6 =	vperm.xlane v5, v0;
	_ =	sdelay $0x1  }
0x2d: {  	v5 =	vperm.xlane v5, v2;
	v6 =	vadd.s32 v1, v6;
	_ =	sdelay $0x1  }
0x2e: {  	v5 =	vadd.s32 v1, v5;
	_ =	sdelay $0x2  }
0x2f: {  	[tilespmem:s8], [sflag:$0x1] =	stream.indirect_vreg.gather [hbm4b:s1+s4], $0x80, v6, vm0, $0xb8;
	[tilespmem:$0x10500] =	vst v63  }
0x30: {  	s30 =	rddreg [dreg:$0x9]  }
0x31: {  	[tilespmem:s30], [sflag:$0x1] =	stream.indirect_vreg.gather [hbm4b:s1+s4], $0x80, v5, vm0, $0xb8;
	[tilespmem:$0x10500] =	vst v63  }
0x32: {  	v5 =	vld [tilespmem:$0x10];
	_ =	sdelay $0x4  }
0x33: {  	v6 =	vshll.u32 v5, $0x1  }
0x34: {  	v5 =	vand.u32 $0x7, v5;
	v6 =	vand.u32 $0xFFFFFFF0, v6  }
0x35: {  	v5 =	vor.u32 v5, v6  }
0x36: {  	v6 =	vperm.xlane v5, v0;
	_ =	sdelay $0x1  }
0x37: {  	v5 =	vperm.xlane v5, v2;
	v6 =	vadd.s32 v1, v6;
	_ =	sdelay $0x1  }
0x38: {  	v5 =	vadd.s32 v1, v5;
	_ =	sdelay $0x1  }
0x39: {  	s31 =	rddreg [dreg:$0xa]  }
0x3a: {  	[tilespmem:s31], [sflag:$0x1] =	stream.indirect_vreg.gather [hbm4b:s1+s4], $0x80, v6, vm0, $0xb8;
	[tilespmem:$0x10500] =	vst v63  }
0x3b: {  	s30 =	rddreg [dreg:$0xb]  }
0x3c: {  	[tilespmem:s30], [sflag:$0x1] =	stream.indirect_vreg.gather [hbm4b:s1+s4], $0x80, v5, vm0, $0xb8;
	[tilespmem:$0x10500] =	vst v63  }
0x3d: {  	v5 =	vld [tilespmem:$0x20];
	_ =	sdelay $0x4  }
0x3e: {  	v6 =	vshll.u32 v5, $0x1  }
0x3f: {  	v5 =	vand.u32 $0x7, v5;
	v6 =	vand.u32 $0xFFFFFFF0, v6  }
0x40: {  	v5 =	vor.u32 v5, v6  }
0x41: {  	v6 =	vperm.xlane v5, v0;
	_ =	sdelay $0x1  }
0x42: {  	v5 =	vperm.xlane v5, v2;
	v6 =	vadd.s32 v1, v6;
	_ =	sdelay $0x1  }
0x43: {  	v5 =	vadd.s32 v1, v5;
	_ =	sdelay $0x1  }
0x44: {  	s29 =	rddreg [dreg:$0xc]  }
0x45: {  	[tilespmem:s29], [sflag:$0x1] =	stream.indirect_vreg.gather [hbm4b:s1+s4], $0x80, v6, vm0, $0xb8;
	[tilespmem:$0x10500] =	vst v63  }
0x46: {  	s31 =	rddreg [dreg:$0xd]  }
0x47: {  	[tilespmem:s31], [sflag:$0x1] =	stream.indirect_vreg.gather [hbm4b:s1+s4], $0x80, v5, vm0, $0xb8;
	[tilespmem:$0x10500] =	vst v63  }
0x48: {  	v5 =	vld [tilespmem:$0x30];
	_ =	sdelay $0x4  }
0x49: {  	v6 =	vshll.u32 v5, $0x1  }
0x4a: {  	v5 =	vand.u32 $0x7, v5;
	v6 =	vand.u32 $0xFFFFFFF0, v6  }
0x4b: {  	v5 =	vor.u32 v5, v6  }
0x4c: {  	v6 =	vperm.xlane v5, v0;
	_ =	sdelay $0x1  }
0x4d: {  	v5 =	vperm.xlane v5, v2;
	v6 =	vadd.s32 v1, v6;
	_ =	sdelay $0x1  }
0x4e: {  	v5 =	vadd.s32 v1, v5;
	_ =	sdelay $0x1  }
0x4f: {  	s29 =	rddreg [dreg:$0xe]  }
0x50: {  	[tilespmem:s29], [sflag:$0x1] =	stream.indirect_vreg.gather [hbm4b:s1+s4], $0x80, v6, vm0, $0xb8;
	[tilespmem:$0x10500] =	vst v63  }
0x51: {  	s31 =	rddreg [dreg:$0xf]  }
0x52: {  	[tilespmem:s31], [sflag:$0x1] =	stream.indirect_vreg.gather [hbm4b:s1+s4], $0x80, v5, vm0, $0xb8;
	[tilespmem:$0x10500] =	vst v63  }
0x53: {  	v5 =	vld [tilespmem:$0x40];
	_ =	sdelay $0x4  }
0x54: {  	v6 =	vshll.u32 v5, $0x1  }
0x55: {  	v5 =	vand.u32 $0x7, v5;
	v6 =	vand.u32 $0xFFFFFFF0, v6  }
0x56: {  	v5 =	vor.u32 v5, v6  }
0x57: {  	v6 =	vperm.xlane v5, v0;
	_ =	sdelay $0x1  }
0x58: {  	v5 =	vperm.xlane v5, v2;
	v6 =	vadd.s32 v1, v6;
	_ =	sdelay $0x1  }
0x59: {  	v5 =	vadd.s32 v1, v5;
	_ =	sdelay $0x1  }
0x5a: {  	s29 =	rddreg [dreg:$0x10]  }
0x5b: {  	[tilespmem:s29], [sflag:$0x1] =	stream.indirect_vreg.gather [hbm4b:s1+s4], $0x80, v6, vm0, $0xb8;
	[tilespmem:$0x10500] =	vst v63  }
0x5c: {  	s31 =	rddreg [dreg:$0x11]  }
0x5d: {  	[tilespmem:s31], [sflag:$0x1] =	stream.indirect_vreg.gather [hbm4b:s1+s4], $0x80, v5, vm0, $0xb8;
	[tilespmem:$0x10500] =	vst v63  }
0x5e: {  	v5 =	vld [tilespmem:$0x50];
	_ =	sdelay $0x4  }
0x5f: {  	v6 =	vshll.u32 v5, $0x1  }
0x60: {  	v5 =	vand.u32 $0x7, v5;
	v6 =	vand.u32 $0xFFFFFFF0, v6  }
0x61: {  	v5 =	vor.u32 v5, v6  }
0x62: {  	v6 =	vperm.xlane v5, v0;
	_ =	sdelay $0x1  }
0x63: {  	v5 =	vperm.xlane v5, v2;
	v6 =	vadd.s32 v1, v6;
	_ =	sdelay $0x1  }
0x64: {  	v5 =	vadd.s32 v1, v5;
	_ =	sdelay $0x1  }
0x65: {  	s29 =	rddreg [dreg:$0x12]  }
0x66: {  	[tilespmem:s29], [sflag:$0x1] =	stream.indirect_vreg.gather [hbm4b:s1+s4], $0x80, v6, vm0, $0xb8;
	[tilespmem:$0x10500] =	vst v63  }
0x67: {  	s31 =	rddreg [dreg:$0x13]  }
0x68: {  	[tilespmem:s31], [sflag:$0x1] =	stream.indirect_vreg.gather [hbm4b:s1+s4], $0x80, v5, vm0, $0xb8;
	[tilespmem:$0x10500] =	vst v63  }
0x69: {  	v5 =	vld [tilespmem:$0x60];
	_ =	sdelay $0x4  }
0x6a: {  	v6 =	vshll.u32 v5, $0x1  }
0x6b: {  	v5 =	vand.u32 $0x7, v5;
	v6 =	vand.u32 $0xFFFFFFF0, v6  }
0x6c: {  	v5 =	vor.u32 v5, v6  }
0x6d: {  	v6 =	vperm.xlane v5, v0;
	_ =	sdelay $0x1  }
0x6e: {  	v5 =	vperm.xlane v5, v2;
	v6 =	vadd.s32 v1, v6;
	_ =	sdelay $0x1  }
0x6f: {  	v5 =	vadd.s32 v1, v5;
	_ =	sdelay $0x1  }
0x70: {  	s29 =	rddreg [dreg:$0x14]  }
0x71: {  	[tilespmem:s29], [sflag:$0x1] =	stream.indirect_vreg.gather [hbm4b:s1+s4], $0x80, v6, vm0, $0xb8;
	[tilespmem:$0x10500] =	vst v63  }
0x72: {  	s31 =	rddreg [dreg:$0x15]  }
0x73: {  	[tilespmem:s31], [sflag:$0x1] =	stream.indirect_vreg.gather [hbm4b:s1+s4], $0x80, v5, vm0, $0xb8;
	[tilespmem:$0x10500] =	vst v63  }
0x74: {  	v5 =	vld [tilespmem:$0x70];
	_ =	sdelay $0x4  }
0x75: {  	v6 =	vshll.u32 v5, $0x1  }
0x76: {  	v5 =	vand.u32 $0x7, v5;
	v6 =	vand.u32 $0xFFFFFFF0, v6  }
0x77: {  	v5 =	vor.u32 v5, v6  }
0x78: {  	v6 =	vperm.xlane v5, v0;
	_ =	sdelay $0x1  }
0x79: {  	v5 =	vperm.xlane v5, v2;
	v6 =	vadd.s32 v1, v6;
	_ =	sdelay $0x1  }
0x7a: {  	v5 =	vadd.s32 v1, v5;
	_ =	sdelay $0x1  }
0x7b: {  	s29 =	rddreg [dreg:$0x16]  }
0x7c: {  	[tilespmem:s29], [sflag:$0x1] =	stream.indirect_vreg.gather [hbm4b:s1+s4], $0x80, v6, vm0, $0xb8;
	[tilespmem:$0x10500] =	vst v63  }
0x7d: {  	s31 =	rddreg [dreg:$0x17]  }
0x7e: {  	[tilespmem:s31], [sflag:$0x1] =	stream.indirect_vreg.gather [hbm4b:s1+s4], $0x80, v5, vm0, $0xb8;
	[tilespmem:$0x10500] =	vst v63  }
0x7f: {  	v5 =	vld [tilespmem:$0x80];
	_ =	sdelay $0x4  }
0x80: {  	v6 =	vshll.u32 v5, $0x1  }
0x81: {  	v5 =	vand.u32 $0x7, v5;
	v6 =	vand.u32 $0xFFFFFFF0, v6  }
0x82: {  	v5 =	vor.u32 v5, v6  }
0x83: {  	v6 =	vperm.xlane v5, v0;
	_ =	sdelay $0x1  }
0x84: {  	v5 =	vperm.xlane v5, v2;
	v6 =	vadd.s32 v1, v6;
	_ =	sdelay $0x1  }
0x85: {  	v5 =	vadd.s32 v1, v5;
	_ =	sdelay $0x1  }
0x86: {  	s31 =	rddreg [dreg:$0x18]  }
0x87: {  	[tilespmem:s31], [sflag:$0x1] =	stream.indirect_vreg.gather [hbm4b:s1+s4], $0x80, v6, vm0, $0xb8;
	[tilespmem:$0x10500] =	vst v63  }
0x88: {  	_ = 	snop  }
0x89: {  	[tilespmem:s9], [sflag:$0x1] =	stream.indirect_vreg.gather [hbm4b:s1+s4], $0x80, v5, vm0, $0xb8;
	[tilespmem:$0x10500] =	vst v63  }
0x8a: {  	v5 =	vld [tilespmem:$0x90];
	_ =	sdelay $0x4  }
0x8b: {  	v6 =	vshll.u32 v5, $0x1  }
0x8c: {  	v5 =	vand.u32 $0x7, v5;
	v6 =	vand.u32 $0xFFFFFFF0, v6  }
0x8d: {  	v5 =	vor.u32 v5, v6  }
0x8e: {  	v6 =	vperm.xlane v5, v0;
	_ =	sdelay $0x1  }
0x8f: {  	v5 =	vperm.xlane v5, v2;
	v6 =	vadd.s32 v1, v6;
	_ =	sdelay $0x1  }
0x90: {  	v5 =	vadd.s32 v1, v5;
	_ =	sdelay $0x2  }
0x91: {  	[tilespmem:s10], [sflag:$0x1] =	stream.indirect_vreg.gather [hbm4b:s1+s4], $0x80, v6, vm0, $0xb8;
	[tilespmem:$0x10500] =	vst v63  }
0x92: {  	_ = 	snop  }
0x93: {  	[tilespmem:s11], [sflag:$0x1] =	stream.indirect_vreg.gather [hbm4b:s1+s4], $0x80, v5, vm0, $0xb8;
	[tilespmem:$0x10500] =	vst v63  }
0x94: {  	v5 =	vld [tilespmem:$0xA0];
	_ =	sdelay $0x4  }
0x95: {  	v6 =	vshll.u32 v5, $0x1  }
0x96: {  	v5 =	vand.u32 $0x7, v5;
	v6 =	vand.u32 $0xFFFFFFF0, v6  }
0x97: {  	v5 =	vor.u32 v5, v6  }
0x98: {  	v6 =	vperm.xlane v5, v0;
	_ =	sdelay $0x1  }
0x99: {  	v5 =	vperm.xlane v5, v2;
	v6 =	vadd.s32 v1, v6;
	_ =	sdelay $0x1  }
0x9a: {  	v5 =	vadd.s32 v1, v5;
	_ =	sdelay $0x2  }
0x9b: {  	[tilespmem:s12], [sflag:$0x1] =	stream.indirect_vreg.gather [hbm4b:s1+s4], $0x80, v6, vm0, $0xb8;
	[tilespmem:$0x10500] =	vst v63  }
0x9c: {  	_ = 	snop  }
0x9d: {  	[tilespmem:s13], [sflag:$0x1] =	stream.indirect_vreg.gather [hbm4b:s1+s4], $0x80, v5, vm0, $0xb8;
	[tilespmem:$0x10500] =	vst v63  }
0x9e: {  	v5 =	vld [tilespmem:$0xB0];
	_ =	sdelay $0x4  }
0x9f: {  	v6 =	vshll.u32 v5, $0x1  }
0xa0: {  	v5 =	vand.u32 $0x7, v5;
	v6 =	vand.u32 $0xFFFFFFF0, v6  }
0xa1: {  	v5 =	vor.u32 v5, v6  }
0xa2: {  	v6 =	vperm.xlane v5, v0;
	_ =	sdelay $0x1  }
0xa3: {  	v5 =	vperm.xlane v5, v2;
	v6 =	vadd.s32 v1, v6;
	_ =	sdelay $0x1  }
0xa4: {  	v5 =	vadd.s32 v1, v5;
	_ =	sdelay $0x2  }
0xa5: {  	[tilespmem:s14], [sflag:$0x1] =	stream.indirect_vreg.gather [hbm4b:s1+s4], $0x80, v6, vm0, $0xb8;
	[tilespmem:$0x10500] =	vst v63  }
0xa6: {  	_ = 	snop  }
0xa7: {  	[tilespmem:s15], [sflag:$0x1] =	stream.indirect_vreg.gather [hbm4b:s1+s4], $0x80, v5, vm0, $0xb8;
	[tilespmem:$0x10500] =	vst v63  }
0xa8: {  	v5 =	vld [tilespmem:$0xC0];
	_ =	sdelay $0x4  }
0xa9: {  	v6 =	vshll.u32 v5, $0x1  }
0xaa: {  	v5 =	vand.u32 $0x7, v5;
	v6 =	vand.u32 $0xFFFFFFF0, v6  }
0xab: {  	v5 =	vor.u32 v5, v6  }
0xac: {  	v6 =	vperm.xlane v5, v0;
	_ =	sdelay $0x1  }
0xad: {  	v5 =	vperm.xlane v5, v2;
	v6 =	vadd.s32 v1, v6;
	_ =	sdelay $0x1  }
0xae: {  	v5 =	vadd.s32 v1, v5;
	_ =	sdelay $0x2  }
0xaf: {  	[tilespmem:s16], [sflag:$0x1] =	stream.indirect_vreg.gather [hbm4b:s1+s4], $0x80, v6, vm0, $0xb8;
	[tilespmem:$0x10500] =	vst v63  }
0xb0: {  	_ = 	snop  }
0xb1: {  	[tilespmem:s17], [sflag:$0x1] =	stream.indirect_vreg.gather [hbm4b:s1+s4], $0x80, v5, vm0, $0xb8;
	[tilespmem:$0x10500] =	vst v63  }
0xb2: {  	v5 =	vld [tilespmem:$0xD0];
	_ =	sdelay $0x4  }
0xb3: {  	v6 =	vshll.u32 v5, $0x1  }
0xb4: {  	v5 =	vand.u32 $0x7, v5;
	v6 =	vand.u32 $0xFFFFFFF0, v6  }
0xb5: {  	v5 =	vor.u32 v5, v6  }
0xb6: {  	v6 =	vperm.xlane v5, v0;
	_ =	sdelay $0x1  }
0xb7: {  	v5 =	vperm.xlane v5, v2;
	v6 =	vadd.s32 v1, v6;
	_ =	sdelay $0x1  }
0xb8: {  	v5 =	vadd.s32 v1, v5;
	_ =	sdelay $0x2  }
0xb9: {  	[tilespmem:s18], [sflag:$0x1] =	stream.indirect_vreg.gather [hbm4b:s1+s4], $0x80, v6, vm0, $0xb8;
	[tilespmem:$0x10500] =	vst v63  }
0xba: {  	_ = 	snop  }
0xbb: {  	[tilespmem:s19], [sflag:$0x1] =	stream.indirect_vreg.gather [hbm4b:s1+s4], $0x80, v5, vm0, $0xb8;
	[tilespmem:$0x10500] =	vst v63  }
0xbc: {  	v5 =	vld [tilespmem:$0xE0];
	_ =	sdelay $0x4  }
0xbd: {  	v6 =	vshll.u32 v5, $0x1  }
0xbe: {  	v5 =	vand.u32 $0x7, v5;
	v6 =	vand.u32 $0xFFFFFFF0, v6  }
0xbf: {  	v5 =	vor.u32 v5, v6  }
0xc0: {  	v6 =	vperm.xlane v5, v0;
	_ =	sdelay $0x1  }
0xc1: {  	v5 =	vperm.xlane v5, v2;
	v6 =	vadd.s32 v1, v6;
	_ =	sdelay $0x1  }
0xc2: {  	v5 =	vadd.s32 v1, v5;
	_ =	sdelay $0x2  }
0xc3: {  	[tilespmem:s20], [sflag:$0x1] =	stream.indirect_vreg.gather [hbm4b:s1+s4], $0x80, v6, vm0, $0xb8;
	[tilespmem:$0x10500] =	vst v63  }
0xc4: {  	_ = 	snop  }
0xc5: {  	[tilespmem:s21], [sflag:$0x1] =	stream.indirect_vreg.gather [hbm4b:s1+s4], $0x80, v5, vm0, $0xb8;
	[tilespmem:$0x10500] =	vst v63  }
0xc6: {  	v5 =	vld [tilespmem:$0xF0];
	_ =	sdelay $0x4  }
0xc7: {  	v6 =	vshll.u32 v5, $0x1  }
0xc8: {  	v5 =	vand.u32 $0x7, v5;
	v6 =	vand.u32 $0xFFFFFFF0, v6  }
0xc9: {  	v5 =	vor.u32 v5, v6  }
0xca: {  	v6 =	vperm.xlane v5, v0;
	_ =	sdelay $0x1  }
0xcb: {  	v5 =	vperm.xlane v5, v2;
	v6 =	vadd.s32 v1, v6;
	_ =	sdelay $0x1  }
0xcc: {  	v5 =	vadd.s32 v1, v5;
	_ =	sdelay $0x2  }
0xcd: {  	[tilespmem:s22], [sflag:$0x1] =	stream.indirect_vreg.gather [hbm4b:s1+s4], $0x80, v6, vm0, $0xb8;
	[tilespmem:$0x10500] =	vst v63  }
0xce: {  	_ = 	snop  }
0xcf: {  	[tilespmem:s23], [sflag:$0x1] =	stream.indirect_vreg.gather [hbm4b:s1+s4], $0x80, v5, vm0, $0xb8;
	[tilespmem:$0x10500] =	vst v63  }
0xd0: {  	_ =	swait.ge [sflag:s24], $0x10000  }
0xd1: {  	[sflag:s24] =	ssyncset.done $0x0  }
0xd2: {  	s30 =	rddreg [dreg:$0x7];
	[sflag:s24] =	ssyncadd.s32 $0xFFFF0000  }
0xd3: {  	[hbm4b:s30+s4] =	stream.linear.scatter [tilespmem:s8], [sflag:$0x2], $0x10000, $0x38;
	[tilespmem:$0x10500] =	vst v63  }
0xd4: {  	_ =	swait.ge [sflag:s7], $0x10000  }
0xd5: {  	[sflag:s7] =	ssyncset.done $0x0  }
0xd6: {  	[sflag:s7] =	ssyncadd.s32 $0xFFFF0000  }
0xd7: {  	[tilespmem:$0x10100] =	vst v3  }
0xd8: {  	[tilespmem:$0x10110] =	vst v3  }
0xd9: {  	[tilespmem:$0x10120] =	vst v3  }
0xda: {  	[tilespmem:$0x10130] =	vst v3  }
0xdb: {  	[tilespmem:$0x10140] =	vst v3  }
0xdc: {  	[tilespmem:$0x10150] =	vst v3  }
0xdd: {  	[tilespmem:$0x10160] =	vst v3  }
0xde: {  	[tilespmem:$0x10170] =	vst v3  }
0xdf: {  	[tilespmem:$0x10180] =	vst v3  }
0xe0: {  	[tilespmem:$0x10190] =	vst v3  }
0xe1: {  	[tilespmem:$0x101A0] =	vst v3  }
0xe2: {  	[tilespmem:$0x101B0] =	vst v3  }
0xe3: {  	[tilespmem:$0x101C0] =	vst v3  }
0xe4: {  	[tilespmem:$0x101D0] =	vst v3  }
0xe5: {  	[tilespmem:$0x101E0] =	vst v3  }
0xe6: {  	[tilespmem:$0x101F0] =	vst v3  }
0xe7: {  	[tilespmem:$0x10200] =	vst v3  }
0xe8: {  	[tilespmem:$0x10210] =	vst v3  }
0xe9: {  	[tilespmem:$0x10220] =	vst v3  }
0xea: {  	[tilespmem:$0x10230] =	vst v3  }
0xeb: {  	[tilespmem:$0x10240] =	vst v3  }
0xec: {  	[tilespmem:$0x10250] =	vst v3  }
0xed: {  	[tilespmem:$0x10260] =	vst v3  }
0xee: {  	[tilespmem:$0x10270] =	vst v3  }
0xef: {  	[tilespmem:$0x10280] =	vst v3  }
0xf0: {  	[tilespmem:$0x10290] =	vst v3  }
0xf1: {  	[tilespmem:$0x102A0] =	vst v3  }
0xf2: {  	[tilespmem:$0x102B0] =	vst v3  }
0xf3: {  	[tilespmem:$0x102C0] =	vst v3  }
0xf4: {  	[tilespmem:$0x102D0] =	vst v3  }
0xf5: {  	[tilespmem:$0x102E0] =	vst v3  }
0xf6: {  	[tilespmem:$0x102F0] =	vst v3  }
0xf7: {  	[spmem:s5] =	stream.linear.scatter [tilespmem:s25], [sflag:$0x2], $0x200, $0x38;
	[tilespmem:$0x10500] =	vst v63  }
0xf8: {  	_ =	swait.ge [sflag:s7], $0x200  }
0xf9: {  	[sflag:s7] =	ssyncset.done $0x0  }
0xfa: {  	[sflag:s7] =	ssyncadd.s32 $0xFFFFFE00  }
0xfb: {  	[bflag:$0x0] =	sbarrier.arrive $0xFFFF  }
0xfc: {  	[tilespmem:$0x10100] =	vst v4  }
0xfd: {  	[tilespmem:$0x10110] =	vst v4  }
0xfe: {  	[tilespmem:$0x10120] =	vst v4  }
0xff: {  	[tilespmem:$0x10130] =	vst v4  }
0x100: {  	[tilespmem:$0x10140] =	vst v4  }
0x101: {  	[tilespmem:$0x10150] =	vst v4  }
0x102: {  	[tilespmem:$0x10160] =	vst v4  }
0x103: {  	[tilespmem:$0x10170] =	vst v4  }
0x104: {  	[tilespmem:$0x10180] =	vst v4  }
0x105: {  	[tilespmem:$0x10190] =	vst v4  }
0x106: {  	[tilespmem:$0x101A0] =	vst v4  }
0x107: {  	[tilespmem:$0x101B0] =	vst v4  }
0x108: {  	[tilespmem:$0x101C0] =	vst v4  }
0x109: {  	[tilespmem:$0x101D0] =	vst v4  }
0x10a: {  	[tilespmem:$0x101E0] =	vst v4  }
0x10b: {  	[tilespmem:$0x101F0] =	vst v4  }
0x10c: {  	[spmem:s3] =	stream.indirect.scatter.add.f32 [tilespmem:s25], [sflag:$0x2], $0x1, s4, s8, $0xb8;
	[tilespmem:$0x10500] =	vst v63  }
0x10d: {  	_ =	swait.ge [sflag:s7], $0x100  }
0x10e: {  	[sflag:s7] =	ssyncset.done $0x0  }
0x10f: {  	s31 =	sshll.u32 s2, $0x6;
	[sflag:s7] =	ssyncadd.s32 $0xFFFFFF00  }
0x110: {  	p0 =	sne.s32 s6, $0x1;
	s30 =	sor.u32 $0x1C02, s31;
	[bflag:$0x0] =	sbarrier.arrive $0xFFFF  }
.Ltmp0:
0x111: {  	s31 =	sshrl.u32 s5, $0x3;
	s29 =	rddreg [dreg:$0x8];
	(pc) =	sbr.rel @p0 .LBB2_1-.Ltmp0, $4  }
0x112: {  	[hbm:s29@s26], [sflag:s30] =	dma.strided [spmem:s31@s28], $0x40, s24, $0x10   }
0x113: {  	_ =	swait.ge [sflag:s7], $0x40  }
0x114: {  	[sflag:s7] =	ssyncset.done $0x0  }
0x115: {  	s6 =	sadd.s32 $0xFFFFFFFF, s6;
	[sflag:s7] =	ssyncadd.s32 $0xFFFFFFC0  }
0x116: {  	_ =	sfence.sel $0x180000  }
0x117: {  	[bflag:$0x0] =	sbarrier.arrive $0xFFFF  }
0x118: {  	p0 =	sne.s32 s2, $0x0;
	_ =	strace $0x90000047  }
0x119: {  	s0 =	sadd.s32 @!p0 $0x100000, s0;
	[bflag:$0x2] =	sbarrier.arrive $0xFFFF  }
0x11a: {  	[sflag:s0] =	ssyncadd.tile.s32 @!p0 $0x1;
	_ =	shalt  }
.Lfunc_end2:
_tile_overlayer_lowered:
.L_overlay_start_2:
0x11b: {  	(tag) =	ssettag $0x2  }
0x11c: {  	s0 =	rddreg [dreg:$0x0];
	s2 =	stileid.u32  }
0x11d: {  	s1 =	rddreg [dreg:$0x1];
	p0 =	sne.s32 s2, $0x0  }
0x11e: {  	s3 =	rddreg [dreg:$0x2];
	[bflag:$0x3] =	sbarrier.arrive $0xFFFF;
	s2 =	simm.s32 @!p0 $0x1C02  }
0x11f: {  	[timem:s3], [sflag:s2] =	dma.local @!p0 [hbm:s0], s1  }
0x120: {  	s0 =	simm.s32 @!p0 $0x2  }
0x121: {  	_ =	swait.ge @!p0 [sflag:s0], s1  }
0x122: {  	s1 =	ssub.s32 @!p0 $0x0, s1;
	[sflag:s0] =	ssyncset.done @!p0 $0x0  }
0x123: {  	[sflag:s0] =	ssyncadd.s32 @!p0 s1  }
0x124: {  	[bflag:$0x3] =	sbarrier.arrive $0xFFFF  }
0x125: {  	_ =	shalt  }

</sc_bundles>
